<compile_context>
chip_gen: v7x
topology: tpu7x:2x2x1
jax: 0.10.2.dev20260603
libtpu: 0.0.44.dev20260713+nightly
codegen_flags: <defaults>
</compile_context>

<pallas_src>
import functools

import jax
import jax.numpy as jnp
from jax import lax
from jax.experimental import pallas as pl
from jax.experimental.pallas import tpu as pltpu
from jax.experimental.pallas import tpu_sc as plsc

_TOPK = 8
_E = 64
_D = 4096
_NW = 32
_NCHUNK = 4


def _logits_block(x_ref, w_ref, out_ref):
    out_ref[...] = jax.lax.dot_general(
        x_ref[...], w_ref[...], (((1,), (1,)), ((), ())),
        preferred_element_type=jnp.float32,
    )


def _tc_logits_chunk(x, W, chunk, chunk_rows, block):
    base = chunk * (chunk_rows // block)
    return pl.pallas_call(
        _logits_block,
        grid=(chunk_rows // block,),
        in_specs=[
            pl.BlockSpec((block, _D), lambda i: (base + i, 0)),
            pl.BlockSpec((_E, _D), lambda i: (0, 0)),
        ],
        out_specs=pl.BlockSpec((block, _E), lambda i: (i, 0)),
        out_shape=jax.ShapeDtypeStruct((chunk_rows, _E), jnp.float32),
    )(x, W)


def _sc_router_body(logits_hbm, scores_hbm, ew_hbm, ei_hbm,
                    lg_v, sc_v, ew_v, ei_v, sem):
    rows = lg_v.shape[0]
    wid = lax.axis_index("s") * 2 + lax.axis_index("c")
    base = wid * rows
    pltpu.sync_copy(logits_hbm.at[pl.ds(base, rows)], lg_v)

    lane = lax.iota(jnp.int32, 16)
    lane_u = lane.astype(jnp.uint32)
    lane_lt8 = lane < _TOPK

    def row_body(r, carry):
        s = [lg_v[r, pl.ds(16 * c, 16)] for c in range(4)]
        m = jnp.maximum(jnp.maximum(s[0], s[1]), jnp.maximum(s[2], s[3]))
        mx = jnp.max(m)
        e = [jnp.exp(v - mx) for v in s]
        denom = jnp.sum(e[0] + e[1] + e[2] + e[3])
        inv = jnp.full((16,), 1.0, jnp.float32) / jnp.broadcast_to(denom, (16,))
        p = [v * inv for v in e]
        keys = []
        for c in range(4):
            sc_v[r, pl.ds(16 * c, 16)] = p[c]
            bits = plsc.bitcast(p[c], jnp.uint32)
            rounded = ((bits << jnp.uint32(2)) + jnp.uint32(8)) & jnp.uint32(
                0xFFFFFFC0
            )
            keys.append(rounded | (jnp.uint32(63 - 16 * c) - lane_u))
        ks = [plsc.sort_key_val(k, k, descending=True)[0] for k in keys]
        m01 = jnp.maximum(ks[0], lax.rev(ks[1], (0,)))
        m23 = jnp.maximum(ks[2], lax.rev(ks[3], (0,)))
        t01 = plsc.sort_key_val(m01, m01, descending=True)[0]
        t23 = plsc.sort_key_val(m23, m23, descending=True)[0]
        mt = jnp.maximum(t01, lax.rev(t23, (0,)))
        top = plsc.sort_key_val(mt, mt, descending=True)[0]
        idx8 = (jnp.uint32(63) - (top & jnp.uint32(63))).astype(jnp.int32)
        rvec = jnp.full((16,), r, jnp.int32)
        w16 = plsc.load_gather(sc_v, [rvec, idx8])
        wsel = jnp.where(lane_lt8, w16, 0.0)
        wnorm = wsel / jnp.broadcast_to(jnp.sum(wsel), (16,))
        plsc.store_scatter(ew_v, [rvec, lane], wnorm, mask=lane_lt8)
        plsc.store_scatter(ei_v, [rvec, lane], idx8, mask=lane_lt8)
        return carry

    lax.fori_loop(0, rows, row_body, 0)

    pltpu.sync_copy(sc_v, scores_hbm.at[pl.ds(base, rows)])
    pltpu.sync_copy(ew_v, ew_hbm.at[pl.ds(base, rows)])
    pltpu.sync_copy(ei_v, ei_hbm.at[pl.ds(base, rows)])


def _sc_router(logits):
    n_tokens = logits.shape[0]
    rows = n_tokens // _NW
    mesh = plsc.VectorSubcoreMesh(core_axis_name="c", subcore_axis_name="s")
    f = functools.partial(
        pl.kernel,
        mesh=mesh,
        out_type=[
            jax.ShapeDtypeStruct((n_tokens, _E), jnp.float32),
            jax.ShapeDtypeStruct((n_tokens, _TOPK), jnp.float32),
            jax.ShapeDtypeStruct((n_tokens, _TOPK), jnp.int32),
        ],
        scratch_types=[
            pltpu.VMEM((rows, _E), jnp.float32),
            pltpu.VMEM((rows, _E), jnp.float32),
            pltpu.VMEM((rows, _TOPK), jnp.float32),
            pltpu.VMEM((rows, _TOPK), jnp.int32),
            pltpu.SemaphoreType.DMA,
        ],
        compiler_params=pltpu.CompilerParams(needs_layout_passes=False),
    )(_sc_router_body)
    return f(logits)


def kernel(x, W):
    n_tokens = x.shape[0]
    chunk_rows = n_tokens // _NCHUNK
    parts = []
    for c in range(_NCHUNK):
        logits_c = _tc_logits_chunk(x, W, c, chunk_rows, block=1024)
        parts.append(_sc_router(logits_c))
    scores = jnp.concatenate([p[0] for p in parts], axis=0)
    ew = jnp.concatenate([p[1] for p in parts], axis=0)
    ei = jnp.concatenate([p[2] for p in parts], axis=0)
    return (scores, ew, ei)

# --- scband reference (transcript-rebuilt; emitter-appended) ---
"""Pipeline reference for scband-mixtral-router-47029891891650 (READ-ONLY COPY).

The authoritative reference and input builder live on the scoring server;
editing this copy changes nothing except your own understanding.
"""

import jax, jax.numpy as jnp
import numpy as np

TOP_K = 8

def setup_inputs(seed: int = 0) -> dict:
    key = jax.random.key(seed)
    k1, k2 = jax.random.split(key)
    x = jax.random.normal(k1, (8192, 4096), dtype=jnp.float32)
    # router weight: nn.Linear(hidden_size=4096, num_experts=64, bias=False) -> W[E, d]
    W = jax.random.normal(k2, (64, 4096), dtype=jnp.float32) * 0.02
    return {"x": x, "W": W}

def reference(x, W):
    # logits = self.layer(x.view(-1, d))
    logits = jnp.dot(x.reshape(-1, x.shape[-1]), W.T)
    # float32 softmax (Mixtral behavior)
    scores = jax.nn.softmax(logits.astype(jnp.float32), axis=-1)
    # top-k expert selection
    expert_weights, expert_indices = jax.lax.top_k(scores, TOP_K)
    # renormalize selected weights
    expert_weights = expert_weights / jnp.sum(expert_weights, axis=-1, keepdims=True)
    expert_weights = expert_weights.astype(x.dtype)
    return (scores, expert_weights, expert_indices)

if __name__ == "__main__":
    import jax
    _d = setup_inputs()
    print(jax.jit(kernel)(*tuple(_d.values())))

</pallas_src>

<mosaic_0001>
#map = affine_map<(d0, d1) -> (0, 0)>
module attributes {stable_mosaic.version = 14 : i64} {
  func.func @_sc_router_body(%arg0: i32, %arg1: i32, %arg2: memref<2048x64xf32, #tpu.memory_space<hbm>>, %arg3: memref<2048x64xf32, #tpu.memory_space<hbm>>, %arg4: memref<2048x8xf32, #tpu.memory_space<hbm>>, %arg5: memref<2048x8xi32, #tpu.memory_space<hbm>>, %arg6: memref<64x64xf32, #tpu.memory_space<vmem>>, %arg7: memref<64x64xf32, #tpu.memory_space<vmem>>, %arg8: memref<64x8xf32, #tpu.memory_space<vmem>>, %arg9: memref<64x8xi32, #tpu.memory_space<vmem>>, %arg10: memref<!tpu.dma_semaphore, #tpu.memory_space<semaphore_mem>>) attributes {dimension_semantics = [#tpu.dimension_semantics<core_parallel>, #tpu.dimension_semantics<subcore_parallel>], iteration_bounds = array<i64: 2, 16>, scalar_prefetch = 0 : i64, scratch_operands = 5 : i64, tpu.core_type = #tpu.core_type<sc_vector_subcore>, window_params = [{transform_indices = #map}, {transform_indices = #map}, {transform_indices = #map}, {transform_indices = #map}]} {
    %mul3A = arith.constant 2 : i32
    %mul3A_0 = arith.muli %arg1, %mul3A : i32
    %add3A = arith.addi %mul3A_0, %arg0 : i32
    %mul3A_1 = arith.constant 64 : i32
    %mul3A_2 = arith.muli %add3A, %mul3A_1 : i32
    "tpu.region"() ({
      %run_scoped3A = tpu.sem_alloc : memref<!tpu.dma_semaphore, #tpu.memory_space<semaphore_mem>>
      %dma_start3A = arith.constant 0 : i32
      %dma_start3A_10 = tpu.memref_slice %arg2[%mul3A_2, %dma_start3A] : memref<2048x64xf32, #tpu.memory_space<hbm>> -> memref<64x64xf32, #tpu.memory_space<hbm>>
      %dma_start3A_11 = arith.constant 0 : i32
      %dma_start3A_12 = tpu.memref_slice %arg2[%mul3A_2, %dma_start3A_11] : memref<2048x64xf32, #tpu.memory_space<hbm>> -> memref<64x64xf32, #tpu.memory_space<hbm>>
      tpu.enqueue_dma source(%dma_start3A_12 : memref<64x64xf32, #tpu.memory_space<hbm>>) target(%arg6 : memref<64x64xf32, #tpu.memory_space<vmem>>) target_semaphore(%run_scoped3A : memref<!tpu.dma_semaphore, #tpu.memory_space<semaphore_mem>>)
      %dma_wait3A = arith.constant 0 : i32
      %dma_wait3A_13 = tpu.memref_slice %arg2[%mul3A_2, %dma_wait3A] : memref<2048x64xf32, #tpu.memory_space<hbm>> -> memref<64x64xf32, #tpu.memory_space<hbm>>
      %dma_wait3A_14 = arith.constant 0 : i32
      %dma_wait3A_15 = tpu.memref_slice %arg2[%mul3A_2, %dma_wait3A_14] : memref<2048x64xf32, #tpu.memory_space<hbm>> -> memref<64x64xf32, #tpu.memory_space<hbm>>
      tpu.wait_dma2 semaphore(%run_scoped3A : memref<!tpu.dma_semaphore, #tpu.memory_space<semaphore_mem>>) src(%dma_wait3A_15 : memref<64x64xf32, #tpu.memory_space<hbm>>) dst(%arg6 : memref<64x64xf32, #tpu.memory_space<vmem>>)
      tpu.yield
    }) : () -> ()
    %iota3A = tpu.iota {dimensions = array<i32: 0>} : vector<16xi32>
    %lt3A = arith.constant 8 : i32
    %lt3A_3 = vector.broadcast %lt3A : i32 to vector<16xi32>
    %lt3A_4 = arith.cmpi slt, %iota3A, %lt3A_3 : vector<16xi32>
    %scan3A = arith.constant 0 : i32
    %scan3A_5 = arith.constant 0 : i32
    %scan3A_6 = arith.constant 64 : i32
    %scan3A_7 = arith.addi %scan3A_5, %scan3A_6 : i32
    %scan3A_8 = arith.constant 1 : i32
    scf.for %scan3A_10 = %scan3A_5 to %scan3A_7 step %scan3A_8  : i32 {
      %get3A = arith.index_cast %scan3A_10 : i32 to index
      %get3A_11 = arith.constant 0 : index
      %get3A_12 = tpu.vector_load %arg6[%get3A, %get3A_11] {strides = array<i32>} : memref<64x64xf32, #tpu.memory_space<vmem>>, vector<16xf32>,
      %get3A_13 = arith.index_cast %scan3A_10 : i32 to index
      %get3A_14 = arith.constant 16 : index
      %get3A_15 = tpu.vector_load %arg6[%get3A_13, %get3A_14] {strides = array<i32>} : memref<64x64xf32, #tpu.memory_space<vmem>>, vector<16xf32>,
      %get3A_16 = arith.index_cast %scan3A_10 : i32 to index
      %get3A_17 = arith.constant 32 : index
      %get3A_18 = tpu.vector_load %arg6[%get3A_16, %get3A_17] {strides = array<i32>} : memref<64x64xf32, #tpu.memory_space<vmem>>, vector<16xf32>,
      %get3A_19 = arith.index_cast %scan3A_10 : i32 to index
      %get3A_20 = arith.constant 48 : index
      %get3A_21 = tpu.vector_load %arg6[%get3A_19, %get3A_20] {strides = array<i32>} : memref<64x64xf32, #tpu.memory_space<vmem>>, vector<16xf32>,
      %max3A = arith.maximumf %get3A_12, %get3A_15 : vector<16xf32>
      %max3A_22 = arith.maximumf %get3A_18, %get3A_21 : vector<16xf32>
      %max3A_23 = arith.maximumf %max3A, %max3A_22 : vector<16xf32>
      %reduce_max3A = arith.constant true
      %reduce_max3A_24 = vector.broadcast %reduce_max3A : i1 to vector<16xi1>
      %reduce_max3A_25 = tpu.scan <max>, %max3A_23 masked %reduce_max3A_24 : vector<16xf32>, vector<16xi1> -> vector<16xf32>
      %reduce_max3A_26 = vector.extract %reduce_max3A_25[15] : f32 from vector<16xf32>
      %sub3A = vector.broadcast %reduce_max3A_26 : f32 to vector<16xf32>
      %sub3A_27 = arith.subf %get3A_12, %sub3A : vector<16xf32>
      %exp3A = math.exp %sub3A_27 : vector<16xf32>
      %sub3A_28 = vector.broadcast %reduce_max3A_26 : f32 to vector<16xf32>
      %sub3A_29 = arith.subf %get3A_15, %sub3A_28 : vector<16xf32>
      %exp3A_30 = math.exp %sub3A_29 : vector<16xf32>
      %sub3A_31 = vector.broadcast %reduce_max3A_26 : f32 to vector<16xf32>
      %sub3A_32 = arith.subf %get3A_18, %sub3A_31 : vector<16xf32>
      %exp3A_33 = math.exp %sub3A_32 : vector<16xf32>
      %sub3A_34 = vector.broadcast %reduce_max3A_26 : f32 to vector<16xf32>
      %sub3A_35 = arith.subf %get3A_21, %sub3A_34 : vector<16xf32>
      %exp3A_36 = math.exp %sub3A_35 : vector<16xf32>
      %add3A_37 = arith.addf %exp3A, %exp3A_30 : vector<16xf32>
      %add3A_38 = arith.addf %add3A_37, %exp3A_33 : vector<16xf32>
      %add3A_39 = arith.addf %add3A_38, %exp3A_36 : vector<16xf32>
      %reduce_sum3A = arith.constant true
      %reduce_sum3A_40 = vector.broadcast %reduce_sum3A : i1 to vector<16xi1>
      %reduce_sum3A_41 = tpu.scan <sum>, %add3A_39 masked %reduce_sum3A_40 : vector<16xf32>, vector<16xi1> -> vector<16xf32>
      %reduce_sum3A_42 = vector.extract %reduce_sum3A_41[15] : f32 from vector<16xf32>
      %broadcast_in_dim3A = arith.constant 1.000000e+00 : f32
      %broadcast_in_dim3A_43 = vector.broadcast %broadcast_in_dim3A : f32 to vector<16xf32>
      %broadcast_in_dim3A_44 = vector.broadcast %reduce_sum3A_42 : f32 to vector<16xf32>
      %div3A = arith.divf %broadcast_in_dim3A_43, %broadcast_in_dim3A_44 : vector<16xf32>
      %mul3A_45 = arith.mulf %exp3A, %div3A : vector<16xf32>
      %mul3A_46 = arith.mulf %exp3A_30, %div3A : vector<16xf32>
      %mul3A_47 = arith.mulf %exp3A_33, %div3A : vector<16xf32>
      %mul3A_48 = arith.mulf %exp3A_36, %div3A : vector<16xf32>
      %swap3A = arith.index_cast %scan3A_10 : i32 to index
      %swap3A_49 = arith.constant 0 : index
      %swap3A_50 = tpu.vector_load %arg7[%swap3A, %swap3A_49] {strides = array<i32>} : memref<64x64xf32, #tpu.memory_space<vmem>>, vector<16xf32>,
      tpu.vector_store %arg7[%swap3A, %swap3A_49], %mul3A_45 {strides = array<i32>} : memref<64x64xf32, #tpu.memory_space<vmem>>, vector<16xf32>,
      %bitcast3A = vector.bitcast %mul3A_45 : vector<16xf32> to vector<16xi32>
      %shift_left3A = arith.constant 2 : i32
      %shift_left3A_51 = vector.broadcast %shift_left3A : i32 to vector<16xi32>
      %shift_left3A_52 = arith.shli %bitcast3A, %shift_left3A_51 : vector<16xi32>
      %add3A_53 = arith.constant 8 : i32
      %add3A_54 = vector.broadcast %add3A_53 : i32 to vector<16xi32>
      %add3A_55 = arith.addi %shift_left3A_52, %add3A_54 : vector<16xi32>
      %and3A = arith.constant -64 : i32
      %and3A_56 = vector.broadcast %and3A : i32 to vector<16xi32>
      %and3A_57 = arith.andi %add3A_55, %and3A_56 : vector<16xi32>
      %sub3A_58 = arith.constant 63 : i32
      %sub3A_59 = vector.broadcast %sub3A_58 : i32 to vector<16xi32>
      %sub3A_60 = arith.subi %sub3A_59, %iota3A : vector<16xi32>
      %or3A = arith.ori %and3A_57, %sub3A_60 : vector<16xi32>
      %swap3A_61 = arith.index_cast %scan3A_10 : i32 to index
      %swap3A_62 = arith.constant 16 : index
      %swap3A_63 = tpu.vector_load %arg7[%swap3A_61, %swap3A_62] {strides = array<i32>} : memref<64x64xf32, #tpu.memory_space<vmem>>, vector<16xf32>,
      tpu.vector_store %arg7[%swap3A_61, %swap3A_62], %mul3A_46 {strides = array<i32>} : memref<64x64xf32, #tpu.memory_space<vmem>>, vector<16xf32>,
      %bitcast3A_64 = vector.bitcast %mul3A_46 : vector<16xf32> to vector<16xi32>
      %shift_left3A_65 = arith.constant 2 : i32
      %shift_left3A_66 = vector.broadcast %shift_left3A_65 : i32 to vector<16xi32>
      %shift_left3A_67 = arith.shli %bitcast3A_64, %shift_left3A_66 : vector<16xi32>
      %add3A_68 = arith.constant 8 : i32
      %add3A_69 = vector.broadcast %add3A_68 : i32 to vector<16xi32>
      %add3A_70 = arith.addi %shift_left3A_67, %add3A_69 : vector<16xi32>
      %and3A_71 = arith.constant -64 : i32
      %and3A_72 = vector.broadcast %and3A_71 : i32 to vector<16xi32>
      %and3A_73 = arith.andi %add3A_70, %and3A_72 : vector<16xi32>
      %sub3A_74 = arith.constant 47 : i32
      %sub3A_75 = vector.broadcast %sub3A_74 : i32 to vector<16xi32>
      %sub3A_76 = arith.subi %sub3A_75, %iota3A : vector<16xi32>
      %or3A_77 = arith.ori %and3A_73, %sub3A_76 : vector<16xi32>
      %swap3A_78 = arith.index_cast %scan3A_10 : i32 to index
      %swap3A_79 = arith.constant 32 : index
      %swap3A_80 = tpu.vector_load %arg7[%swap3A_78, %swap3A_79] {strides = array<i32>} : memref<64x64xf32, #tpu.memory_space<vmem>>, vector<16xf32>,
      tpu.vector_store %arg7[%swap3A_78, %swap3A_79], %mul3A_47 {strides = array<i32>} : memref<64x64xf32, #tpu.memory_space<vmem>>, vector<16xf32>,
      %bitcast3A_81 = vector.bitcast %mul3A_47 : vector<16xf32> to vector<16xi32>
      %shift_left3A_82 = arith.constant 2 : i32
      %shift_left3A_83 = vector.broadcast %shift_left3A_82 : i32 to vector<16xi32>
      %shift_left3A_84 = arith.shli %bitcast3A_81, %shift_left3A_83 : vector<16xi32>
      %add3A_85 = arith.constant 8 : i32
      %add3A_86 = vector.broadcast %add3A_85 : i32 to vector<16xi32>
      %add3A_87 = arith.addi %shift_left3A_84, %add3A_86 : vector<16xi32>
      %and3A_88 = arith.constant -64 : i32
      %and3A_89 = vector.broadcast %and3A_88 : i32 to vector<16xi32>
      %and3A_90 = arith.andi %add3A_87, %and3A_89 : vector<16xi32>
      %sub3A_91 = arith.constant 31 : i32
      %sub3A_92 = vector.broadcast %sub3A_91 : i32 to vector<16xi32>
      %sub3A_93 = arith.subi %sub3A_92, %iota3A : vector<16xi32>
      %or3A_94 = arith.ori %and3A_90, %sub3A_93 : vector<16xi32>
      %swap3A_95 = arith.index_cast %scan3A_10 : i32 to index
      %swap3A_96 = arith.constant 48 : index
      %swap3A_97 = tpu.vector_load %arg7[%swap3A_95, %swap3A_96] {strides = array<i32>} : memref<64x64xf32, #tpu.memory_space<vmem>>, vector<16xf32>,
      tpu.vector_store %arg7[%swap3A_95, %swap3A_96], %mul3A_48 {strides = array<i32>} : memref<64x64xf32, #tpu.memory_space<vmem>>, vector<16xf32>,
      %bitcast3A_98 = vector.bitcast %mul3A_48 : vector<16xf32> to vector<16xi32>
      %shift_left3A_99 = arith.constant 2 : i32
      %shift_left3A_100 = vector.broadcast %shift_left3A_99 : i32 to vector<16xi32>
      %shift_left3A_101 = arith.shli %bitcast3A_98, %shift_left3A_100 : vector<16xi32>
      %add3A_102 = arith.constant 8 : i32
      %add3A_103 = vector.broadcast %add3A_102 : i32 to vector<16xi32>
      %add3A_104 = arith.addi %shift_left3A_101, %add3A_103 : vector<16xi32>
      %and3A_105 = arith.constant -64 : i32
      %and3A_106 = vector.broadcast %and3A_105 : i32 to vector<16xi32>
      %and3A_107 = arith.andi %add3A_104, %and3A_106 : vector<16xi32>
      %sub3A_108 = arith.constant 15 : i32
      %sub3A_109 = vector.broadcast %sub3A_108 : i32 to vector<16xi32>
      %sub3A_110 = arith.subi %sub3A_109, %iota3A : vector<16xi32>
      %or3A_111 = arith.ori %and3A_107, %sub3A_110 : vector<16xi32>
      %masked_sort3A = arith.constant dense<true> : vector<16xi1>
      %masked_sort3A_112, %masked_sort3A_113, %masked_sort3A_114 = tpu.sort %or3A, %or3A masked %masked_sort3A {descending = true} : (vector<16xi32>, vector<16xi32>, vector<16xi1>) -> (vector<16xi1>, vector<16xi32>, vector<16xi32>)
      %masked_sort3A_115 = arith.constant dense<true> : vector<16xi1>
      %masked_sort3A_116, %masked_sort3A_117, %masked_sort3A_118 = tpu.sort %or3A_77, %or3A_77 masked %masked_sort3A_115 {descending = true} : (vector<16xi32>, vector<16xi32>, vector<16xi1>) -> (vector<16xi1>, vector<16xi32>, vector<16xi32>)
      %masked_sort3A_119 = arith.constant dense<true> : vector<16xi1>
      %masked_sort3A_120, %masked_sort3A_121, %masked_sort3A_122 = tpu.sort %or3A_94, %or3A_94 masked %masked_sort3A_119 {descending = true} : (vector<16xi32>, vector<16xi32>, vector<16xi1>) -> (vector<16xi1>, vector<16xi32>, vector<16xi32>)
      %masked_sort3A_123 = arith.constant dense<true> : vector<16xi1>
      %masked_sort3A_124, %masked_sort3A_125, %masked_sort3A_126 = tpu.sort %or3A_111, %or3A_111 masked %masked_sort3A_123 {descending = true} : (vector<16xi32>, vector<16xi32>, vector<16xi1>) -> (vector<16xi1>, vector<16xi32>, vector<16xi32>)
      %rev3A = arith.constant 15 : i32
      %rev3A_127 = vector.broadcast %rev3A : i32 to vector<16xi32>
      %rev3A_128 = tpu.iota {dimensions = array<i32: 0>} : vector<16xi32>
      %rev3A_129 = arith.subi %rev3A_127, %rev3A_128 : vector<16xi32>
      %rev3A_130 = tpu.dynamic_gather %masked_sort3A_117[%rev3A_129] in [0] : vector<16xi32>, vector<16xi32> -> vector<16xi32>
      %max3A_131 = arith.maxui %masked_sort3A_113, %rev3A_130 : vector<16xi32>
      %rev3A_132 = arith.constant 15 : i32
      %rev3A_133 = vector.broadcast %rev3A_132 : i32 to vector<16xi32>
      %rev3A_134 = tpu.iota {dimensions = array<i32: 0>} : vector<16xi32>
      %rev3A_135 = arith.subi %rev3A_133, %rev3A_134 : vector<16xi32>
      %rev3A_136 = tpu.dynamic_gather %masked_sort3A_125[%rev3A_135] in [0] : vector<16xi32>, vector<16xi32> -> vector<16xi32>
      %max3A_137 = arith.maxui %masked_sort3A_121, %rev3A_136 : vector<16xi32>
      %masked_sort3A_138 = arith.constant dense<true> : vector<16xi1>
      %masked_sort3A_139, %masked_sort3A_140, %masked_sort3A_141 = tpu.sort %max3A_131, %max3A_131 masked %masked_sort3A_138 {descending = true} : (vector<16xi32>, vector<16xi32>, vector<16xi1>) -> (vector<16xi1>, vector<16xi32>, vector<16xi32>)
      %masked_sort3A_142 = arith.constant dense<true> : vector<16xi1>
      %masked_sort3A_143, %masked_sort3A_144, %masked_sort3A_145 = tpu.sort %max3A_137, %max3A_137 masked %masked_sort3A_142 {descending = true} : (vector<16xi32>, vector<16xi32>, vector<16xi1>) -> (vector<16xi1>, vector<16xi32>, vector<16xi32>)
      %rev3A_146 = arith.constant 15 : i32
      %rev3A_147 = vector.broadcast %rev3A_146 : i32 to vector<16xi32>
      %rev3A_148 = tpu.iota {dimensions = array<i32: 0>} : vector<16xi32>
      %rev3A_149 = arith.subi %rev3A_147, %rev3A_148 : vector<16xi32>
      %rev3A_150 = tpu.dynamic_gather %masked_sort3A_144[%rev3A_149] in [0] : vector<16xi32>, vector<16xi32> -> vector<16xi32>
      %max3A_151 = arith.maxui %masked_sort3A_140, %rev3A_150 : vector<16xi32>
      %masked_sort3A_152 = arith.constant dense<true> : vector<16xi1>
      %masked_sort3A_153, %masked_sort3A_154, %masked_sort3A_155 = tpu.sort %max3A_151, %max3A_151 masked %masked_sort3A_152 {descending = true} : (vector<16xi32>, vector<16xi32>, vector<16xi1>) -> (vector<16xi1>, vector<16xi32>, vector<16xi32>)
      %and3A_156 = arith.constant 63 : i32
      %and3A_157 = vector.broadcast %and3A_156 : i32 to vector<16xi32>
      %and3A_158 = arith.andi %masked_sort3A_154, %and3A_157 : vector<16xi32>
      %sub3A_159 = arith.constant 63 : i32
      %sub3A_160 = vector.broadcast %sub3A_159 : i32 to vector<16xi32>
      %sub3A_161 = arith.subi %sub3A_160, %and3A_158 : vector<16xi32>
      %broadcast_in_dim3A_162 = vector.broadcast %scan3A_10 : i32 to vector<16xi32>
      %gather3A = tpu.vector_load_idx %arg7[%broadcast_in_dim3A_162, %sub3A_161] : memref<64x64xf32, #tpu.memory_space<vmem>>[vector<16xi32>, vector<16xi32>], vector<16xf32>,
      %jit3A = arith.constant 0.000000e+00 : f32
      %broadcast_in_dim3A_163 = vector.broadcast %jit3A : f32 to vector<16xf32>
      %select_n3A = arith.select %lt3A_4, %gather3A, %broadcast_in_dim3A_163 : vector<16xi1>, vector<16xf32>
      %reduce_sum3A_164 = arith.constant true
      %reduce_sum3A_165 = vector.broadcast %reduce_sum3A_164 : i1 to vector<16xi1>
      %reduce_sum3A_166 = tpu.scan <sum>, %select_n3A masked %reduce_sum3A_165 : vector<16xf32>, vector<16xi1> -> vector<16xf32>
      %reduce_sum3A_167 = vector.extract %reduce_sum3A_166[15] : f32 from vector<16xf32>
      %broadcast_in_dim3A_168 = vector.broadcast %reduce_sum3A_167 : f32 to vector<16xf32>
      %div3A_169 = arith.divf %select_n3A, %broadcast_in_dim3A_168 : vector<16xf32>
      tpu.vector_store_idx %arg8[%broadcast_in_dim3A_162, %iota3A], %div3A_169 masked %lt3A_4 : memref<64x8xf32, #tpu.memory_space<vmem>>[vector<16xi32>, vector<16xi32>], vector<16xf32>, vector<16xi1>
      tpu.vector_store_idx %arg9[%broadcast_in_dim3A_162, %iota3A], %sub3A_161 masked %lt3A_4 : memref<64x8xi32, #tpu.memory_space<vmem>>[vector<16xi32>, vector<16xi32>], vector<16xi32>, vector<16xi1>
    }
    %scan3A_9 = arith.constant 64 : i32
    "tpu.region"() ({
      %run_scoped3A = tpu.sem_alloc : memref<!tpu.dma_semaphore, #tpu.memory_space<semaphore_mem>>
      %dma_start3A = arith.constant 0 : i32
      %dma_start3A_10 = tpu.memref_slice %arg3[%mul3A_2, %dma_start3A] : memref<2048x64xf32, #tpu.memory_space<hbm>> -> memref<64x64xf32, #tpu.memory_space<hbm>>
      %dma_start3A_11 = arith.constant 0 : i32
      %dma_start3A_12 = tpu.memref_slice %arg3[%mul3A_2, %dma_start3A_11] : memref<2048x64xf32, #tpu.memory_space<hbm>> -> memref<64x64xf32, #tpu.memory_space<hbm>>
      tpu.enqueue_dma source(%arg7 : memref<64x64xf32, #tpu.memory_space<vmem>>) target(%dma_start3A_12 : memref<64x64xf32, #tpu.memory_space<hbm>>) target_semaphore(%run_scoped3A : memref<!tpu.dma_semaphore, #tpu.memory_space<semaphore_mem>>)
      %dma_wait3A = arith.constant 0 : i32
      %dma_wait3A_13 = tpu.memref_slice %arg3[%mul3A_2, %dma_wait3A] : memref<2048x64xf32, #tpu.memory_space<hbm>> -> memref<64x64xf32, #tpu.memory_space<hbm>>
      %dma_wait3A_14 = arith.constant 0 : i32
      %dma_wait3A_15 = tpu.memref_slice %arg3[%mul3A_2, %dma_wait3A_14] : memref<2048x64xf32, #tpu.memory_space<hbm>> -> memref<64x64xf32, #tpu.memory_space<hbm>>
      tpu.wait_dma2 semaphore(%run_scoped3A : memref<!tpu.dma_semaphore, #tpu.memory_space<semaphore_mem>>) src(%arg7 : memref<64x64xf32, #tpu.memory_space<vmem>>) dst(%dma_wait3A_15 : memref<64x64xf32, #tpu.memory_space<hbm>>)
      tpu.yield
    }) : () -> ()
    "tpu.region"() ({
      %run_scoped3A = tpu.sem_alloc : memref<!tpu.dma_semaphore, #tpu.memory_space<semaphore_mem>>
      %dma_start3A = arith.constant 0 : i32
      %dma_start3A_10 = tpu.memref_slice %arg4[%mul3A_2, %dma_start3A] : memref<2048x8xf32, #tpu.memory_space<hbm>> -> memref<64x8xf32, #tpu.memory_space<hbm>>
      %dma_start3A_11 = arith.constant 0 : i32
      %dma_start3A_12 = tpu.memref_slice %arg4[%mul3A_2, %dma_start3A_11] : memref<2048x8xf32, #tpu.memory_space<hbm>> -> memref<64x8xf32, #tpu.memory_space<hbm>>
      tpu.enqueue_dma source(%arg8 : memref<64x8xf32, #tpu.memory_space<vmem>>) target(%dma_start3A_12 : memref<64x8xf32, #tpu.memory_space<hbm>>) target_semaphore(%run_scoped3A : memref<!tpu.dma_semaphore, #tpu.memory_space<semaphore_mem>>)
      %dma_wait3A = arith.constant 0 : i32
      %dma_wait3A_13 = tpu.memref_slice %arg4[%mul3A_2, %dma_wait3A] : memref<2048x8xf32, #tpu.memory_space<hbm>> -> memref<64x8xf32, #tpu.memory_space<hbm>>
      %dma_wait3A_14 = arith.constant 0 : i32
      %dma_wait3A_15 = tpu.memref_slice %arg4[%mul3A_2, %dma_wait3A_14] : memref<2048x8xf32, #tpu.memory_space<hbm>> -> memref<64x8xf32, #tpu.memory_space<hbm>>
      tpu.wait_dma2 semaphore(%run_scoped3A : memref<!tpu.dma_semaphore, #tpu.memory_space<semaphore_mem>>) src(%arg8 : memref<64x8xf32, #tpu.memory_space<vmem>>) dst(%dma_wait3A_15 : memref<64x8xf32, #tpu.memory_space<hbm>>)
      tpu.yield
    }) : () -> ()
    "tpu.region"() ({
      %run_scoped3A = tpu.sem_alloc : memref<!tpu.dma_semaphore, #tpu.memory_space<semaphore_mem>>
      %dma_start3A = arith.constant 0 : i32
      %dma_start3A_10 = tpu.memref_slice %arg5[%mul3A_2, %dma_start3A] : memref<2048x8xi32, #tpu.memory_space<hbm>> -> memref<64x8xi32, #tpu.memory_space<hbm>>
      %dma_start3A_11 = arith.constant 0 : i32
      %dma_start3A_12 = tpu.memref_slice %arg5[%mul3A_2, %dma_start3A_11] : memref<2048x8xi32, #tpu.memory_space<hbm>> -> memref<64x8xi32, #tpu.memory_space<hbm>>
      tpu.enqueue_dma source(%arg9 : memref<64x8xi32, #tpu.memory_space<vmem>>) target(%dma_start3A_12 : memref<64x8xi32, #tpu.memory_space<hbm>>) target_semaphore(%run_scoped3A : memref<!tpu.dma_semaphore, #tpu.memory_space<semaphore_mem>>)
      %dma_wait3A = arith.constant 0 : i32
      %dma_wait3A_13 = tpu.memref_slice %arg5[%mul3A_2, %dma_wait3A] : memref<2048x8xi32, #tpu.memory_space<hbm>> -> memref<64x8xi32, #tpu.memory_space<hbm>>
      %dma_wait3A_14 = arith.constant 0 : i32
      %dma_wait3A_15 = tpu.memref_slice %arg5[%mul3A_2, %dma_wait3A_14] : memref<2048x8xi32, #tpu.memory_space<hbm>> -> memref<64x8xi32, #tpu.memory_space<hbm>>
      tpu.wait_dma2 semaphore(%run_scoped3A : memref<!tpu.dma_semaphore, #tpu.memory_space<semaphore_mem>>) src(%arg9 : memref<64x8xi32, #tpu.memory_space<vmem>>) dst(%dma_wait3A_15 : memref<64x8xi32, #tpu.memory_space<hbm>>)
      tpu.yield
    }) : () -> ()
    return
  }
}

#map = affine_map<(d0, d1) -> (0, 0)>
module attributes {stable_mosaic.version = 14 : i64} {
  func.func @_sc_router_body(%arg0: i32, %arg1: i32, %arg2: memref<2048x64xf32, #tpu.memory_space<hbm>>, %arg3: memref<2048x64xf32, #tpu.memory_space<hbm>>, %arg4: memref<2048x8xf32, #tpu.memory_space<hbm>>, %arg5: memref<2048x8xi32, #tpu.memory_space<hbm>>, %arg6: memref<64x64xf32, #tpu.memory_space<vmem>>, %arg7: memref<64x64xf32, #tpu.memory_space<vmem>>, %arg8: memref<64x8xf32, #tpu.memory_space<vmem>>, %arg9: memref<64x8xi32, #tpu.memory_space<vmem>>, %arg10: memref<!tpu.dma_semaphore, #tpu.memory_space<semaphore_mem>>) attributes {dimension_semantics = [#tpu.dimension_semantics<core_parallel>, #tpu.dimension_semantics<subcore_parallel>], iteration_bounds = array<i64: 2, 16>, scalar_prefetch = 0 : i64, scratch_operands = 5 : i64, tpu.core_type = #tpu.core_type<sc_vector_subcore>, window_params = [{transform_indices = #map}, {transform_indices = #map}, {transform_indices = #map}, {transform_indices = #map}]} {
    %mul3A = arith.constant 2 : i32
    %mul3A_0 = arith.muli %arg1, %mul3A : i32
    %add3A = arith.addi %mul3A_0, %arg0 : i32
    %mul3A_1 = arith.constant 64 : i32
    %mul3A_2 = arith.muli %add3A, %mul3A_1 : i32
    "tpu.region"() ({
      %run_scoped3A = tpu.sem_alloc : memref<!tpu.dma_semaphore, #tpu.memory_space<semaphore_mem>>
      %dma_start3A = arith.constant 0 : i32
      %dma_start3A_10 = tpu.memref_slice %arg2[%mul3A_2, %dma_start3A] : memref<2048x64xf32, #tpu.memory_space<hbm>> -> memref<64x64xf32, #tpu.memory_space<hbm>>
      %dma_start3A_11 = arith.constant 0 : i32
      %dma_start3A_12 = tpu.memref_slice %arg2[%mul3A_2, %dma_start3A_11] : memref<2048x64xf32, #tpu.memory_space<hbm>> -> memref<64x64xf32, #tpu.memory_space<hbm>>
      tpu.enqueue_dma source(%dma_start3A_12 : memref<64x64xf32, #tpu.memory_space<hbm>>) target(%arg6 : memref<64x64xf32, #tpu.memory_space<vmem>>) target_semaphore(%run_scoped3A : memref<!tpu.dma_semaphore, #tpu.memory_space<semaphore_mem>>)
      %dma_wait3A = arith.constant 0 : i32
      %dma_wait3A_13 = tpu.memref_slice %arg2[%mul3A_2, %dma_wait3A] : memref<2048x64xf32, #tpu.memory_space<hbm>> -> memref<64x64xf32, #tpu.memory_space<hbm>>
      %dma_wait3A_14 = arith.constant 0 : i32
      %dma_wait3A_15 = tpu.memref_slice %arg2[%mul3A_2, %dma_wait3A_14] : memref<2048x64xf32, #tpu.memory_space<hbm>> -> memref<64x64xf32, #tpu.memory_space<hbm>>
      tpu.wait_dma2 semaphore(%run_scoped3A : memref<!tpu.dma_semaphore, #tpu.memory_space<semaphore_mem>>) src(%dma_wait3A_15 : memref<64x64xf32, #tpu.memory_space<hbm>>) dst(%arg6 : memref<64x64xf32, #tpu.memory_space<vmem>>)
      tpu.yield
    }) : () -> ()
    %iota3A = tpu.iota {dimensions = array<i32: 0>} : vector<16xi32>
    %lt3A = arith.constant 8 : i32
    %lt3A_3 = vector.broadcast %lt3A : i32 to vector<16xi32>
    %lt3A_4 = arith.cmpi slt, %iota3A, %lt3A_3 : vector<16xi32>
    %scan3A = arith.constant 0 : i32
    %scan3A_5 = arith.constant 0 : i32
    %scan3A_6 = arith.constant 64 : i32
    %scan3A_7 = arith.addi %scan3A_5, %scan3A_6 : i32
    %scan3A_8 = arith.constant 1 : i32
    scf.for %scan3A_10 = %scan3A_5 to %scan3A_7 step %scan3A_8  : i32 {
      %get3A = arith.index_cast %scan3A_10 : i32 to index
      %get3A_11 = arith.constant 0 : index
      %get3A_12 = tpu.vector_load %arg6[%get3A, %get3A_11] {strides = array<i32>} : memref<64x64xf32, #tpu.memory_space<vmem>>, vector<16xf32>,
      %get3A_13 = arith.index_cast %scan3A_10 : i32 to index
      %get3A_14 = arith.constant 16 : index
      %get3A_15 = tpu.vector_load %arg6[%get3A_13, %get3A_14] {strides = array<i32>} : memref<64x64xf32, #tpu.memory_space<vmem>>, vector<16xf32>,
      %get3A_16 = arith.index_cast %scan3A_10 : i32 to index
      %get3A_17 = arith.constant 32 : index
      %get3A_18 = tpu.vector_load %arg6[%get3A_16, %get3A_17] {strides = array<i32>} : memref<64x64xf32, #tpu.memory_space<vmem>>, vector<16xf32>,
      %get3A_19 = arith.index_cast %scan3A_10 : i32 to index
      %get3A_20 = arith.constant 48 : index
      %get3A_21 = tpu.vector_load %arg6[%get3A_19, %get3A_20] {strides = array<i32>} : memref<64x64xf32, #tpu.memory_space<vmem>>, vector<16xf32>,
      %max3A = arith.maximumf %get3A_12, %get3A_15 : vector<16xf32>
      %max3A_22 = arith.maximumf %get3A_18, %get3A_21 : vector<16xf32>
      %max3A_23 = arith.maximumf %max3A, %max3A_22 : vector<16xf32>
      %reduce_max3A = arith.constant true
      %reduce_max3A_24 = vector.broadcast %reduce_max3A : i1 to vector<16xi1>
      %reduce_max3A_25 = tpu.scan <max>, %max3A_23 masked %reduce_max3A_24 : vector<16xf32>, vector<16xi1> -> vector<16xf32>
      %reduce_max3A_26 = vector.extract %reduce_max3A_25[15] : f32 from vector<16xf32>
      %sub3A = vector.broadcast %reduce_max3A_26 : f32 to vector<16xf32>
      %sub3A_27 = arith.subf %get3A_12, %sub3A : vector<16xf32>
      %exp3A = math.exp %sub3A_27 : vector<16xf32>
      %sub3A_28 = vector.broadcast %reduce_max3A_26 : f32 to vector<16xf32>
      %sub3A_29 = arith.subf %get3A_15, %sub3A_28 : vector<16xf32>
      %exp3A_30 = math.exp %sub3A_29 : vector<16xf32>
      %sub3A_31 = vector.broadcast %reduce_max3A_26 : f32 to vector<16xf32>
      %sub3A_32 = arith.subf %get3A_18, %sub3A_31 : vector<16xf32>
      %exp3A_33 = math.exp %sub3A_32 : vector<16xf32>
      %sub3A_34 = vector.broadcast %reduce_max3A_26 : f32 to vector<16xf32>
      %sub3A_35 = arith.subf %get3A_21, %sub3A_34 : vector<16xf32>
      %exp3A_36 = math.exp %sub3A_35 : vector<16xf32>
      %add3A_37 = arith.addf %exp3A, %exp3A_30 : vector<16xf32>
      %add3A_38 = arith.addf %add3A_37, %exp3A_33 : vector<16xf32>
      %add3A_39 = arith.addf %add3A_38, %exp3A_36 : vector<16xf32>
      %reduce_sum3A = arith.constant true
      %reduce_sum3A_40 = vector.broadcast %reduce_sum3A : i1 to vector<16xi1>
      %reduce_sum3A_41 = tpu.scan <sum>, %add3A_39 masked %reduce_sum3A_40 : vector<16xf32>, vector<16xi1> -> vector<16xf32>
      %reduce_sum3A_42 = vector.extract %reduce_sum3A_41[15] : f32 from vector<16xf32>
      %broadcast_in_dim3A = arith.constant 1.000000e+00 : f32
      %broadcast_in_dim3A_43 = vector.broadcast %broadcast_in_dim3A : f32 to vector<16xf32>
      %broadcast_in_dim3A_44 = vector.broadcast %reduce_sum3A_42 : f32 to vector<16xf32>
      %div3A = arith.divf %broadcast_in_dim3A_43, %broadcast_in_dim3A_44 : vector<16xf32>
      %mul3A_45 = arith.mulf %exp3A, %div3A : vector<16xf32>
      %mul3A_46 = arith.mulf %exp3A_30, %div3A : vector<16xf32>
      %mul3A_47 = arith.mulf %exp3A_33, %div3A : vector<16xf32>
      %mul3A_48 = arith.mulf %exp3A_36, %div3A : vector<16xf32>
      %swap3A = arith.index_cast %scan3A_10 : i32 to index
      %swap3A_49 = arith.constant 0 : index
      %swap3A_50 = tpu.vector_load %arg7[%swap3A, %swap3A_49] {strides = array<i32>} : memref<64x64xf32, #tpu.memory_space<vmem>>, vector<16xf32>,
      tpu.vector_store %arg7[%swap3A, %swap3A_49], %mul3A_45 {strides = array<i32>} : memref<64x64xf32, #tpu.memory_space<vmem>>, vector<16xf32>,
      %bitcast3A = vector.bitcast %mul3A_45 : vector<16xf32> to vector<16xi32>
      %shift_left3A = arith.constant 2 : i32
      %shift_left3A_51 = vector.broadcast %shift_left3A : i32 to vector<16xi32>
      %shift_left3A_52 = arith.shli %bitcast3A, %shift_left3A_51 : vector<16xi32>
      %add3A_53 = arith.constant 8 : i32
      %add3A_54 = vector.broadcast %add3A_53 : i32 to vector<16xi32>
      %add3A_55 = arith.addi %shift_left3A_52, %add3A_54 : vector<16xi32>
      %and3A = arith.constant -64 : i32
      %and3A_56 = vector.broadcast %and3A : i32 to vector<16xi32>
      %and3A_57 = arith.andi %add3A_55, %and3A_56 : vector<16xi32>
      %sub3A_58 = arith.constant 63 : i32
      %sub3A_59 = vector.broadcast %sub3A_58 : i32 to vector<16xi32>
      %sub3A_60 = arith.subi %sub3A_59, %iota3A : vector<16xi32>
      %or3A = arith.ori %and3A_57, %sub3A_60 : vector<16xi32>
      %swap3A_61 = arith.index_cast %scan3A_10 : i32 to index
      %swap3A_62 = arith.constant 16 : index
      %swap3A_63 = tpu.vector_load %arg7[%swap3A_61, %swap3A_62] {strides = array<i32>} : memref<64x64xf32, #tpu.memory_space<vmem>>, vector<16xf32>,
      tpu.vector_store %arg7[%swap3A_61, %swap3A_62], %mul3A_46 {strides = array<i32>} : memref<64x64xf32, #tpu.memory_space<vmem>>, vector<16xf32>,
      %bitcast3A_64 = vector.bitcast %mul3A_46 : vector<16xf32> to vector<16xi32>
      %shift_left3A_65 = arith.constant 2 : i32
      %shift_left3A_66 = vector.broadcast %shift_left3A_65 : i32 to vector<16xi32>
      %shift_left3A_67 = arith.shli %bitcast3A_64, %shift_left3A_66 : vector<16xi32>
      %add3A_68 = arith.constant 8 : i32
      %add3A_69 = vector.broadcast %add3A_68 : i32 to vector<16xi32>
      %add3A_70 = arith.addi %shift_left3A_67, %add3A_69 : vector<16xi32>
      %and3A_71 = arith.constant -64 : i32
      %and3A_72 = vector.broadcast %and3A_71 : i32 to vector<16xi32>
      %and3A_73 = arith.andi %add3A_70, %and3A_72 : vector<16xi32>
      %sub3A_74 = arith.constant 47 : i32
      %sub3A_75 = vector.broadcast %sub3A_74 : i32 to vector<16xi32>
      %sub3A_76 = arith.subi %sub3A_75, %iota3A : vector<16xi32>
      %or3A_77 = arith.ori %and3A_73, %sub3A_76 : vector<16xi32>
      %swap3A_78 = arith.index_cast %scan3A_10 : i32 to index
      %swap3A_79 = arith.constant 32 : index
      %swap3A_80 = tpu.vector_load %arg7[%swap3A_78, %swap3A_79] {strides = array<i32>} : memref<64x64xf32, #tpu.memory_space<vmem>>, vector<16xf32>,
      tpu.vector_store %arg7[%swap3A_78, %swap3A_79], %mul3A_47 {strides = array<i32>} : memref<64x64xf32, #tpu.memory_space<vmem>>, vector<16xf32>,
      %bitcast3A_81 = vector.bitcast %mul3A_47 : vector<16xf32> to vector<16xi32>
      %shift_left3A_82 = arith.constant 2 : i32
      %shift_left3A_83 = vector.broadcast %shift_left3A_82 : i32 to vector<16xi32>
      %shift_left3A_84 = arith.shli %bitcast3A_81, %shift_left3A_83 : vector<16xi32>
      %add3A_85 = arith.constant 8 : i32
      %add3A_86 = vector.broadcast %add3A_85 : i32 to vector<16xi32>
      %add3A_87 = arith.addi %shift_left3A_84, %add3A_86 : vector<16xi32>
      %and3A_88 = arith.constant -64 : i32
      %and3A_89 = vector.broadcast %and3A_88 : i32 to vector<16xi32>
      %and3A_90 = arith.andi %add3A_87, %and3A_89 : vector<16xi32>
      %sub3A_91 = arith.constant 31 : i32
      %sub3A_92 = vector.broadcast %sub3A_91 : i32 to vector<16xi32>
      %sub3A_93 = arith.subi %sub3A_92, %iota3A : vector<16xi32>
      %or3A_94 = arith.ori %and3A_90, %sub3A_93 : vector<16xi32>
      %swap3A_95 = arith.index_cast %scan3A_10 : i32 to index
      %swap3A_96 = arith.constant 48 : index
      %swap3A_97 = tpu.vector_load %arg7[%swap3A_95, %swap3A_96] {strides = array<i32>} : memref<64x64xf32, #tpu.memory_space<vmem>>, vector<16xf32>,
      tpu.vector_store %arg7[%swap3A_95, %swap3A_96], %mul3A_48 {strides = array<i32>} : memref<64x64xf32, #tpu.memory_space<vmem>>, vector<16xf32>,
      %bitcast3A_98 = vector.bitcast %mul3A_48 : vector<16xf32> to vector<16xi32>
      %shift_left3A_99 = arith.constant 2 : i32
      %shift_left3A_100 = vector.broadcast %shift_left3A_99 : i32 to vector<16xi32>
      %shift_left3A_101 = arith.shli %bitcast3A_98, %shift_left3A_100 : vector<16xi32>
      %add3A_102 = arith.constant 8 : i32
      %add3A_103 = vector.broadcast %add3A_102 : i32 to vector<16xi32>
      %add3A_104 = arith.addi %shift_left3A_101, %add3A_103 : vector<16xi32>
      %and3A_105 = arith.constant -64 : i32
      %and3A_106 = vector.broadcast %and3A_105 : i32 to vector<16xi32>
      %and3A_107 = arith.andi %add3A_104, %and3A_106 : vector<16xi32>
      %sub3A_108 = arith.constant 15 : i32
      %sub3A_109 = vector.broadcast %sub3A_108 : i32 to vector<16xi32>
      %sub3A_110 = arith.subi %sub3A_109, %iota3A : vector<16xi32>
      %or3A_111 = arith.ori %and3A_107, %sub3A_110 : vector<16xi32>
      %masked_sort3A = arith.constant dense<true> : vector<16xi1>
      %masked_sort3A_112, %masked_sort3A_113, %masked_sort3A_114 = tpu.sort %or3A, %or3A masked %masked_sort3A {descending = true} : (vector<16xi32>, vector<16xi32>, vector<16xi1>) -> (vector<16xi1>, vector<16xi32>, vector<16xi32>)
      %masked_sort3A_115 = arith.constant dense<true> : vector<16xi1>
      %masked_sort3A_116, %masked_sort3A_117, %masked_sort3A_118 = tpu.sort %or3A_77, %or3A_77 masked %masked_sort3A_115 {descending = true} : (vector<16xi32>, vector<16xi32>, vector<16xi1>) -> (vector<16xi1>, vector<16xi32>, vector<16xi32>)
      %masked_sort3A_119 = arith.constant dense<true> : vector<16xi1>
      %masked_sort3A_120, %masked_sort3A_121, %masked_sort3A_122 = tpu.sort %or3A_94, %or3A_94 masked %masked_sort3A_119 {descending = true} : (vector<16xi32>, vector<16xi32>, vector<16xi1>) -> (vector<16xi1>, vector<16xi32>, vector<16xi32>)
      %masked_sort3A_123 = arith.constant dense<true> : vector<16xi1>
      %masked_sort3A_124, %masked_sort3A_125, %masked_sort3A_126 = tpu.sort %or3A_111, %or3A_111 masked %masked_sort3A_123 {descending = true} : (vector<16xi32>, vector<16xi32>, vector<16xi1>) -> (vector<16xi1>, vector<16xi32>, vector<16xi32>)
      %rev3A = arith.constant 15 : i32
      %rev3A_127 = vector.broadcast %rev3A : i32 to vector<16xi32>
      %rev3A_128 = tpu.iota {dimensions = array<i32: 0>} : vector<16xi32>
      %rev3A_129 = arith.subi %rev3A_127, %rev3A_128 : vector<16xi32>
      %rev3A_130 = tpu.dynamic_gather %masked_sort3A_117[%rev3A_129] in [0] : vector<16xi32>, vector<16xi32> -> vector<16xi32>
      %max3A_131 = arith.maxui %masked_sort3A_113, %rev3A_130 : vector<16xi32>
      %rev3A_132 = arith.constant 15 : i32
      %rev3A_133 = vector.broadcast %rev3A_132 : i32 to vector<16xi32>
      %rev3A_134 = tpu.iota {dimensions = array<i32: 0>} : vector<16xi32>
      %rev3A_135 = arith.subi %rev3A_133, %rev3A_134 : vector<16xi32>
      %rev3A_136 = tpu.dynamic_gather %masked_sort3A_125[%rev3A_135] in [0] : vector<16xi32>, vector<16xi32> -> vector<16xi32>
      %max3A_137 = arith.maxui %masked_sort3A_121, %rev3A_136 : vector<16xi32>
      %masked_sort3A_138 = arith.constant dense<true> : vector<16xi1>
      %masked_sort3A_139, %masked_sort3A_140, %masked_sort3A_141 = tpu.sort %max3A_131, %max3A_131 masked %masked_sort3A_138 {descending = true} : (vector<16xi32>, vector<16xi32>, vector<16xi1>) -> (vector<16xi1>, vector<16xi32>, vector<16xi32>)
      %masked_sort3A_142 = arith.constant dense<true> : vector<16xi1>
      %masked_sort3A_143, %masked_sort3A_144, %masked_sort3A_145 = tpu.sort %max3A_137, %max3A_137 masked %masked_sort3A_142 {descending = true} : (vector<16xi32>, vector<16xi32>, vector<16xi1>) -> (vector<16xi1>, vector<16xi32>, vector<16xi32>)
      %rev3A_146 = arith.constant 15 : i32
      %rev3A_147 = vector.broadcast %rev3A_146 : i32 to vector<16xi32>
      %rev3A_148 = tpu.iota {dimensions = array<i32: 0>} : vector<16xi32>
      %rev3A_149 = arith.subi %rev3A_147, %rev3A_148 : vector<16xi32>
      %rev3A_150 = tpu.dynamic_gather %masked_sort3A_144[%rev3A_149] in [0] : vector<16xi32>, vector<16xi32> -> vector<16xi32>
      %max3A_151 = arith.maxui %masked_sort3A_140, %rev3A_150 : vector<16xi32>
      %masked_sort3A_152 = arith.constant dense<true> : vector<16xi1>
      %masked_sort3A_153, %masked_sort3A_154, %masked_sort3A_155 = tpu.sort %max3A_151, %max3A_151 masked %masked_sort3A_152 {descending = true} : (vector<16xi32>, vector<16xi32>, vector<16xi1>) -> (vector<16xi1>, vector<16xi32>, vector<16xi32>)
      %and3A_156 = arith.constant 63 : i32
      %and3A_157 = vector.broadcast %and3A_156 : i32 to vector<16xi32>
      %and3A_158 = arith.andi %masked_sort3A_154, %and3A_157 : vector<16xi32>
      %sub3A_159 = arith.constant 63 : i32
      %sub3A_160 = vector.broadcast %sub3A_159 : i32 to vector<16xi32>
      %sub3A_161 = arith.subi %sub3A_160, %and3A_158 : vector<16xi32>
      %broadcast_in_dim3A_162 = vector.broadcast %scan3A_10 : i32 to vector<16xi32>
      %gather3A = tpu.vector_load_idx %arg7[%broadcast_in_dim3A_162, %sub3A_161] : memref<64x64xf32, #tpu.memory_space<vmem>>[vector<16xi32>, vector<16xi32>], vector<16xf32>,
      %jit3A = arith.constant 0.000000e+00 : f32
      %broadcast_in_dim3A_163 = vector.broadcast %jit3A : f32 to vector<16xf32>
      %select_n3A = arith.select %lt3A_4, %gather3A, %broadcast_in_dim3A_163 : vector<16xi1>, vector<16xf32>
      %reduce_sum3A_164 = arith.constant true
      %reduce_sum3A_165 = vector.broadcast %reduce_sum3A_164 : i1 to vector<16xi1>
      %reduce_sum3A_166 = tpu.scan <sum>, %select_n3A masked %reduce_sum3A_165 : vector<16xf32>, vector<16xi1> -> vector<16xf32>
      %reduce_sum3A_167 = vector.extract %reduce_sum3A_166[15] : f32 from vector<16xf32>
      %broadcast_in_dim3A_168 = vector.broadcast %reduce_sum3A_167 : f32 to vector<16xf32>
      %div3A_169 = arith.divf %select_n3A, %broadcast_in_dim3A_168 : vector<16xf32>
      tpu.vector_store_idx %arg8[%broadcast_in_dim3A_162, %iota3A], %div3A_169 masked %lt3A_4 : memref<64x8xf32, #tpu.memory_space<vmem>>[vector<16xi32>, vector<16xi32>], vector<16xf32>, vector<16xi1>
      tpu.vector_store_idx %arg9[%broadcast_in_dim3A_162, %iota3A], %sub3A_161 masked %lt3A_4 : memref<64x8xi32, #tpu.memory_space<vmem>>[vector<16xi32>, vector<16xi32>], vector<16xi32>, vector<16xi1>
    }
    %scan3A_9 = arith.constant 64 : i32
    "tpu.region"() ({
      %run_scoped3A = tpu.sem_alloc : memref<!tpu.dma_semaphore, #tpu.memory_space<semaphore_mem>>
      %dma_start3A = arith.constant 0 : i32
      %dma_start3A_10 = tpu.memref_slice %arg3[%mul3A_2, %dma_start3A] : memref<2048x64xf32, #tpu.memory_space<hbm>> -> memref<64x64xf32, #tpu.memory_space<hbm>>
      %dma_start3A_11 = arith.constant 0 : i32
      %dma_start3A_12 = tpu.memref_slice %arg3[%mul3A_2, %dma_start3A_11] : memref<2048x64xf32, #tpu.memory_space<hbm>> -> memref<64x64xf32, #tpu.memory_space<hbm>>
      tpu.enqueue_dma source(%arg7 : memref<64x64xf32, #tpu.memory_space<vmem>>) target(%dma_start3A_12 : memref<64x64xf32, #tpu.memory_space<hbm>>) target_semaphore(%run_scoped3A : memref<!tpu.dma_semaphore, #tpu.memory_space<semaphore_mem>>)
      %dma_wait3A = arith.constant 0 : i32
      %dma_wait3A_13 = tpu.memref_slice %arg3[%mul3A_2, %dma_wait3A] : memref<2048x64xf32, #tpu.memory_space<hbm>> -> memref<64x64xf32, #tpu.memory_space<hbm>>
      %dma_wait3A_14 = arith.constant 0 : i32
      %dma_wait3A_15 = tpu.memref_slice %arg3[%mul3A_2, %dma_wait3A_14] : memref<2048x64xf32, #tpu.memory_space<hbm>> -> memref<64x64xf32, #tpu.memory_space<hbm>>
      tpu.wait_dma2 semaphore(%run_scoped3A : memref<!tpu.dma_semaphore, #tpu.memory_space<semaphore_mem>>) src(%arg7 : memref<64x64xf32, #tpu.memory_space<vmem>>) dst(%dma_wait3A_15 : memref<64x64xf32, #tpu.memory_space<hbm>>)
      tpu.yield
    }) : () -> ()
    "tpu.region"() ({
      %run_scoped3A = tpu.sem_alloc : memref<!tpu.dma_semaphore, #tpu.memory_space<semaphore_mem>>
      %dma_start3A = arith.constant 0 : i32
      %dma_start3A_10 = tpu.memref_slice %arg4[%mul3A_2, %dma_start3A] : memref<2048x8xf32, #tpu.memory_space<hbm>> -> memref<64x8xf32, #tpu.memory_space<hbm>>
      %dma_start3A_11 = arith.constant 0 : i32
      %dma_start3A_12 = tpu.memref_slice %arg4[%mul3A_2, %dma_start3A_11] : memref<2048x8xf32, #tpu.memory_space<hbm>> -> memref<64x8xf32, #tpu.memory_space<hbm>>
      tpu.enqueue_dma source(%arg8 : memref<64x8xf32, #tpu.memory_space<vmem>>) target(%dma_start3A_12 : memref<64x8xf32, #tpu.memory_space<hbm>>) target_semaphore(%run_scoped3A : memref<!tpu.dma_semaphore, #tpu.memory_space<semaphore_mem>>)
      %dma_wait3A = arith.constant 0 : i32
      %dma_wait3A_13 = tpu.memref_slice %arg4[%mul3A_2, %dma_wait3A] : memref<2048x8xf32, #tpu.memory_space<hbm>> -> memref<64x8xf32, #tpu.memory_space<hbm>>
      %dma_wait3A_14 = arith.constant 0 : i32
      %dma_wait3A_15 = tpu.memref_slice %arg4[%mul3A_2, %dma_wait3A_14] : memref<2048x8xf32, #tpu.memory_space<hbm>> -> memref<64x8xf32, #tpu.memory_space<hbm>>
      tpu.wait_dma2 semaphore(%run_scoped3A : memref<!tpu.dma_semaphore, #tpu.memory_space<semaphore_mem>>) src(%arg8 : memref<64x8xf32, #tpu.memory_space<vmem>>) dst(%dma_wait3A_15 : memref<64x8xf32, #tpu.memory_space<hbm>>)
      tpu.yield
    }) : () -> ()
    "tpu.region"() ({
      %run_scoped3A = tpu.sem_alloc : memref<!tpu.dma_semaphore, #tpu.memory_space<semaphore_mem>>
      %dma_start3A = arith.constant 0 : i32
      %dma_start3A_10 = tpu.memref_slice %arg5[%mul3A_2, %dma_start3A] : memref<2048x8xi32, #tpu.memory_space<hbm>> -> memref<64x8xi32, #tpu.memory_space<hbm>>
      %dma_start3A_11 = arith.constant 0 : i32
      %dma_start3A_12 = tpu.memref_slice %arg5[%mul3A_2, %dma_start3A_11] : memref<2048x8xi32, #tpu.memory_space<hbm>> -> memref<64x8xi32, #tpu.memory_space<hbm>>
      tpu.enqueue_dma source(%arg9 : memref<64x8xi32, #tpu.memory_space<vmem>>) target(%dma_start3A_12 : memref<64x8xi32, #tpu.memory_space<hbm>>) target_semaphore(%run_scoped3A : memref<!tpu.dma_semaphore, #tpu.memory_space<semaphore_mem>>)
      %dma_wait3A = arith.constant 0 : i32
      %dma_wait3A_13 = tpu.memref_slice %arg5[%mul3A_2, %dma_wait3A] : memref<2048x8xi32, #tpu.memory_space<hbm>> -> memref<64x8xi32, #tpu.memory_space<hbm>>
      %dma_wait3A_14 = arith.constant 0 : i32
      %dma_wait3A_15 = tpu.memref_slice %arg5[%mul3A_2, %dma_wait3A_14] : memref<2048x8xi32, #tpu.memory_space<hbm>> -> memref<64x8xi32, #tpu.memory_space<hbm>>
      tpu.wait_dma2 semaphore(%run_scoped3A : memref<!tpu.dma_semaphore, #tpu.memory_space<semaphore_mem>>) src(%arg9 : memref<64x8xi32, #tpu.memory_space<vmem>>) dst(%dma_wait3A_15 : memref<64x8xi32, #tpu.memory_space<hbm>>)
      tpu.yield
    }) : () -> ()
    return
  }
}

#map = affine_map<(d0, d1) -> (0, 0)>
module attributes {stable_mosaic.version = 14 : i64} {
  func.func @_sc_router_body(%arg0: i32, %arg1: i32, %arg2: memref<2048x64xf32, #tpu.memory_space<hbm>>, %arg3: memref<2048x64xf32, #tpu.memory_space<hbm>>, %arg4: memref<2048x8xf32, #tpu.memory_space<hbm>>, %arg5: memref<2048x8xi32, #tpu.memory_space<hbm>>, %arg6: memref<64x64xf32, #tpu.memory_space<vmem>>, %arg7: memref<64x64xf32, #tpu.memory_space<vmem>>, %arg8: memref<64x8xf32, #tpu.memory_space<vmem>>, %arg9: memref<64x8xi32, #tpu.memory_space<vmem>>, %arg10: memref<!tpu.dma_semaphore, #tpu.memory_space<semaphore_mem>>) attributes {dimension_semantics = [#tpu.dimension_semantics<core_parallel>, #tpu.dimension_semantics<subcore_parallel>], iteration_bounds = array<i64: 2, 16>, scalar_prefetch = 0 : i64, scratch_operands = 5 : i64, tpu.core_type = #tpu.core_type<sc_vector_subcore>, window_params = [{transform_indices = #map}, {transform_indices = #map}, {transform_indices = #map}, {transform_indices = #map}]} {
    %mul3A = arith.constant 2 : i32
    %mul3A_0 = arith.muli %arg1, %mul3A : i32
    %add3A = arith.addi %mul3A_0, %arg0 : i32
    %mul3A_1 = arith.constant 64 : i32
    %mul3A_2 = arith.muli %add3A, %mul3A_1 : i32
    "tpu.region"() ({
      %run_scoped3A = tpu.sem_alloc : memref<!tpu.dma_semaphore, #tpu.memory_space<semaphore_mem>>
      %dma_start3A = arith.constant 0 : i32
      %dma_start3A_10 = tpu.memref_slice %arg2[%mul3A_2, %dma_start3A] : memref<2048x64xf32, #tpu.memory_space<hbm>> -> memref<64x64xf32, #tpu.memory_space<hbm>>
      %dma_start3A_11 = arith.constant 0 : i32
      %dma_start3A_12 = tpu.memref_slice %arg2[%mul3A_2, %dma_start3A_11] : memref<2048x64xf32, #tpu.memory_space<hbm>> -> memref<64x64xf32, #tpu.memory_space<hbm>>
      tpu.enqueue_dma source(%dma_start3A_12 : memref<64x64xf32, #tpu.memory_space<hbm>>) target(%arg6 : memref<64x64xf32, #tpu.memory_space<vmem>>) target_semaphore(%run_scoped3A : memref<!tpu.dma_semaphore, #tpu.memory_space<semaphore_mem>>)
      %dma_wait3A = arith.constant 0 : i32
      %dma_wait3A_13 = tpu.memref_slice %arg2[%mul3A_2, %dma_wait3A] : memref<2048x64xf32, #tpu.memory_space<hbm>> -> memref<64x64xf32, #tpu.memory_space<hbm>>
      %dma_wait3A_14 = arith.constant 0 : i32
      %dma_wait3A_15 = tpu.memref_slice %arg2[%mul3A_2, %dma_wait3A_14] : memref<2048x64xf32, #tpu.memory_space<hbm>> -> memref<64x64xf32, #tpu.memory_space<hbm>>
      tpu.wait_dma2 semaphore(%run_scoped3A : memref<!tpu.dma_semaphore, #tpu.memory_space<semaphore_mem>>) src(%dma_wait3A_15 : memref<64x64xf32, #tpu.memory_space<hbm>>) dst(%arg6 : memref<64x64xf32, #tpu.memory_space<vmem>>)
      tpu.yield
    }) : () -> ()
    %iota3A = tpu.iota {dimensions = array<i32: 0>} : vector<16xi32>
    %lt3A = arith.constant 8 : i32
    %lt3A_3 = vector.broadcast %lt3A : i32 to vector<16xi32>
    %lt3A_4 = arith.cmpi slt, %iota3A, %lt3A_3 : vector<16xi32>
    %scan3A = arith.constant 0 : i32
    %scan3A_5 = arith.constant 0 : i32
    %scan3A_6 = arith.constant 64 : i32
    %scan3A_7 = arith.addi %scan3A_5, %scan3A_6 : i32
    %scan3A_8 = arith.constant 1 : i32
    scf.for %scan3A_10 = %scan3A_5 to %scan3A_7 step %scan3A_8  : i32 {
      %get3A = arith.index_cast %scan3A_10 : i32 to index
      %get3A_11 = arith.constant 0 : index
      %get3A_12 = tpu.vector_load %arg6[%get3A, %get3A_11] {strides = array<i32>} : memref<64x64xf32, #tpu.memory_space<vmem>>, vector<16xf32>,
      %get3A_13 = arith.index_cast %scan3A_10 : i32 to index
      %get3A_14 = arith.constant 16 : index
      %get3A_15 = tpu.vector_load %arg6[%get3A_13, %get3A_14] {strides = array<i32>} : memref<64x64xf32, #tpu.memory_space<vmem>>, vector<16xf32>,
      %get3A_16 = arith.index_cast %scan3A_10 : i32 to index
      %get3A_17 = arith.constant 32 : index
      %get3A_18 = tpu.vector_load %arg6[%get3A_16, %get3A_17] {strides = array<i32>} : memref<64x64xf32, #tpu.memory_space<vmem>>, vector<16xf32>,
      %get3A_19 = arith.index_cast %scan3A_10 : i32 to index
      %get3A_20 = arith.constant 48 : index
      %get3A_21 = tpu.vector_load %arg6[%get3A_19, %get3A_20] {strides = array<i32>} : memref<64x64xf32, #tpu.memory_space<vmem>>, vector<16xf32>,
      %max3A = arith.maximumf %get3A_12, %get3A_15 : vector<16xf32>
      %max3A_22 = arith.maximumf %get3A_18, %get3A_21 : vector<16xf32>
      %max3A_23 = arith.maximumf %max3A, %max3A_22 : vector<16xf32>
      %reduce_max3A = arith.constant true
      %reduce_max3A_24 = vector.broadcast %reduce_max3A : i1 to vector<16xi1>
      %reduce_max3A_25 = tpu.scan <max>, %max3A_23 masked %reduce_max3A_24 : vector<16xf32>, vector<16xi1> -> vector<16xf32>
      %reduce_max3A_26 = vector.extract %reduce_max3A_25[15] : f32 from vector<16xf32>
      %sub3A = vector.broadcast %reduce_max3A_26 : f32 to vector<16xf32>
      %sub3A_27 = arith.subf %get3A_12, %sub3A : vector<16xf32>
      %exp3A = math.exp %sub3A_27 : vector<16xf32>
      %sub3A_28 = vector.broadcast %reduce_max3A_26 : f32 to vector<16xf32>
      %sub3A_29 = arith.subf %get3A_15, %sub3A_28 : vector<16xf32>
      %exp3A_30 = math.exp %sub3A_29 : vector<16xf32>
      %sub3A_31 = vector.broadcast %reduce_max3A_26 : f32 to vector<16xf32>
      %sub3A_32 = arith.subf %get3A_18, %sub3A_31 : vector<16xf32>
      %exp3A_33 = math.exp %sub3A_32 : vector<16xf32>
      %sub3A_34 = vector.broadcast %reduce_max3A_26 : f32 to vector<16xf32>
      %sub3A_35 = arith.subf %get3A_21, %sub3A_34 : vector<16xf32>
      %exp3A_36 = math.exp %sub3A_35 : vector<16xf32>
      %add3A_37 = arith.addf %exp3A, %exp3A_30 : vector<16xf32>
      %add3A_38 = arith.addf %add3A_37, %exp3A_33 : vector<16xf32>
      %add3A_39 = arith.addf %add3A_38, %exp3A_36 : vector<16xf32>
      %reduce_sum3A = arith.constant true
      %reduce_sum3A_40 = vector.broadcast %reduce_sum3A : i1 to vector<16xi1>
      %reduce_sum3A_41 = tpu.scan <sum>, %add3A_39 masked %reduce_sum3A_40 : vector<16xf32>, vector<16xi1> -> vector<16xf32>
      %reduce_sum3A_42 = vector.extract %reduce_sum3A_41[15] : f32 from vector<16xf32>
      %broadcast_in_dim3A = arith.constant 1.000000e+00 : f32
      %broadcast_in_dim3A_43 = vector.broadcast %broadcast_in_dim3A : f32 to vector<16xf32>
      %broadcast_in_dim3A_44 = vector.broadcast %reduce_sum3A_42 : f32 to vector<16xf32>
      %div3A = arith.divf %broadcast_in_dim3A_43, %broadcast_in_dim3A_44 : vector<16xf32>
      %mul3A_45 = arith.mulf %exp3A, %div3A : vector<16xf32>
      %mul3A_46 = arith.mulf %exp3A_30, %div3A : vector<16xf32>
      %mul3A_47 = arith.mulf %exp3A_33, %div3A : vector<16xf32>
      %mul3A_48 = arith.mulf %exp3A_36, %div3A : vector<16xf32>
      %swap3A = arith.index_cast %scan3A_10 : i32 to index
      %swap3A_49 = arith.constant 0 : index
      %swap3A_50 = tpu.vector_load %arg7[%swap3A, %swap3A_49] {strides = array<i32>} : memref<64x64xf32, #tpu.memory_space<vmem>>, vector<16xf32>,
      tpu.vector_store %arg7[%swap3A, %swap3A_49], %mul3A_45 {strides = array<i32>} : memref<64x64xf32, #tpu.memory_space<vmem>>, vector<16xf32>,
      %bitcast3A = vector.bitcast %mul3A_45 : vector<16xf32> to vector<16xi32>
      %shift_left3A = arith.constant 2 : i32
      %shift_left3A_51 = vector.broadcast %shift_left3A : i32 to vector<16xi32>
      %shift_left3A_52 = arith.shli %bitcast3A, %shift_left3A_51 : vector<16xi32>
      %add3A_53 = arith.constant 8 : i32
      %add3A_54 = vector.broadcast %add3A_53 : i32 to vector<16xi32>
      %add3A_55 = arith.addi %shift_left3A_52, %add3A_54 : vector<16xi32>
      %and3A = arith.constant -64 : i32
      %and3A_56 = vector.broadcast %and3A : i32 to vector<16xi32>
      %and3A_57 = arith.andi %add3A_55, %and3A_56 : vector<16xi32>
      %sub3A_58 = arith.constant 63 : i32
      %sub3A_59 = vector.broadcast %sub3A_58 : i32 to vector<16xi32>
      %sub3A_60 = arith.subi %sub3A_59, %iota3A : vector<16xi32>
      %or3A = arith.ori %and3A_57, %sub3A_60 : vector<16xi32>
      %swap3A_61 = arith.index_cast %scan3A_10 : i32 to index
      %swap3A_62 = arith.constant 16 : index
      %swap3A_63 = tpu.vector_load %arg7[%swap3A_61, %swap3A_62] {strides = array<i32>} : memref<64x64xf32, #tpu.memory_space<vmem>>, vector<16xf32>,
      tpu.vector_store %arg7[%swap3A_61, %swap3A_62], %mul3A_46 {strides = array<i32>} : memref<64x64xf32, #tpu.memory_space<vmem>>, vector<16xf32>,
      %bitcast3A_64 = vector.bitcast %mul3A_46 : vector<16xf32> to vector<16xi32>
      %shift_left3A_65 = arith.constant 2 : i32
      %shift_left3A_66 = vector.broadcast %shift_left3A_65 : i32 to vector<16xi32>
      %shift_left3A_67 = arith.shli %bitcast3A_64, %shift_left3A_66 : vector<16xi32>
      %add3A_68 = arith.constant 8 : i32
      %add3A_69 = vector.broadcast %add3A_68 : i32 to vector<16xi32>
      %add3A_70 = arith.addi %shift_left3A_67, %add3A_69 : vector<16xi32>
      %and3A_71 = arith.constant -64 : i32
      %and3A_72 = vector.broadcast %and3A_71 : i32 to vector<16xi32>
      %and3A_73 = arith.andi %add3A_70, %and3A_72 : vector<16xi32>
      %sub3A_74 = arith.constant 47 : i32
      %sub3A_75 = vector.broadcast %sub3A_74 : i32 to vector<16xi32>
      %sub3A_76 = arith.subi %sub3A_75, %iota3A : vector<16xi32>
      %or3A_77 = arith.ori %and3A_73, %sub3A_76 : vector<16xi32>
      %swap3A_78 = arith.index_cast %scan3A_10 : i32 to index
      %swap3A_79 = arith.constant 32 : index
      %swap3A_80 = tpu.vector_load %arg7[%swap3A_78, %swap3A_79] {strides = array<i32>} : memref<64x64xf32, #tpu.memory_space<vmem>>, vector<16xf32>,
      tpu.vector_store %arg7[%swap3A_78, %swap3A_79], %mul3A_47 {strides = array<i32>} : memref<64x64xf32, #tpu.memory_space<vmem>>, vector<16xf32>,
      %bitcast3A_81 = vector.bitcast %mul3A_47 : vector<16xf32> to vector<16xi32>
      %shift_left3A_82 = arith.constant 2 : i32
      %shift_left3A_83 = vector.broadcast %shift_left3A_82 : i32 to vector<16xi32>
      %shift_left3A_84 = arith.shli %bitcast3A_81, %shift_left3A_83 : vector<16xi32>
      %add3A_85 = arith.constant 8 : i32
      %add3A_86 = vector.broadcast %add3A_85 : i32 to vector<16xi32>
      %add3A_87 = arith.addi %shift_left3A_84, %add3A_86 : vector<16xi32>
      %and3A_88 = arith.constant -64 : i32
      %and3A_89 = vector.broadcast %and3A_88 : i32 to vector<16xi32>
      %and3A_90 = arith.andi %add3A_87, %and3A_89 : vector<16xi32>
      %sub3A_91 = arith.constant 31 : i32
      %sub3A_92 = vector.broadcast %sub3A_91 : i32 to vector<16xi32>
      %sub3A_93 = arith.subi %sub3A_92, %iota3A : vector<16xi32>
      %or3A_94 = arith.ori %and3A_90, %sub3A_93 : vector<16xi32>
      %swap3A_95 = arith.index_cast %scan3A_10 : i32 to index
      %swap3A_96 = arith.constant 48 : index
      %swap3A_97 = tpu.vector_load %arg7[%swap3A_95, %swap3A_96] {strides = array<i32>} : memref<64x64xf32, #tpu.memory_space<vmem>>, vector<16xf32>,
      tpu.vector_store %arg7[%swap3A_95, %swap3A_96], %mul3A_48 {strides = array<i32>} : memref<64x64xf32, #tpu.memory_space<vmem>>, vector<16xf32>,
      %bitcast3A_98 = vector.bitcast %mul3A_48 : vector<16xf32> to vector<16xi32>
      %shift_left3A_99 = arith.constant 2 : i32
      %shift_left3A_100 = vector.broadcast %shift_left3A_99 : i32 to vector<16xi32>
      %shift_left3A_101 = arith.shli %bitcast3A_98, %shift_left3A_100 : vector<16xi32>
      %add3A_102 = arith.constant 8 : i32
      %add3A_103 = vector.broadcast %add3A_102 : i32 to vector<16xi32>
      %add3A_104 = arith.addi %shift_left3A_101, %add3A_103 : vector<16xi32>
      %and3A_105 = arith.constant -64 : i32
      %and3A_106 = vector.broadcast %and3A_105 : i32 to vector<16xi32>
      %and3A_107 = arith.andi %add3A_104, %and3A_106 : vector<16xi32>
      %sub3A_108 = arith.constant 15 : i32
      %sub3A_109 = vector.broadcast %sub3A_108 : i32 to vector<16xi32>
      %sub3A_110 = arith.subi %sub3A_109, %iota3A : vector<16xi32>
      %or3A_111 = arith.ori %and3A_107, %sub3A_110 : vector<16xi32>
      %masked_sort3A = arith.constant dense<true> : vector<16xi1>
      %masked_sort3A_112, %masked_sort3A_113, %masked_sort3A_114 = tpu.sort %or3A, %or3A masked %masked_sort3A {descending = true} : (vector<16xi32>, vector<16xi32>, vector<16xi1>) -> (vector<16xi1>, vector<16xi32>, vector<16xi32>)
      %masked_sort3A_115 = arith.constant dense<true> : vector<16xi1>
      %masked_sort3A_116, %masked_sort3A_117, %masked_sort3A_118 = tpu.sort %or3A_77, %or3A_77 masked %masked_sort3A_115 {descending = true} : (vector<16xi32>, vector<16xi32>, vector<16xi1>) -> (vector<16xi1>, vector<16xi32>, vector<16xi32>)
      %masked_sort3A_119 = arith.constant dense<true> : vector<16xi1>
      %masked_sort3A_120, %masked_sort3A_121, %masked_sort3A_122 = tpu.sort %or3A_94, %or3A_94 masked %masked_sort3A_119 {descending = true} : (vector<16xi32>, vector<16xi32>, vector<16xi1>) -> (vector<16xi1>, vector<16xi32>, vector<16xi32>)
      %masked_sort3A_123 = arith.constant dense<true> : vector<16xi1>
      %masked_sort3A_124, %masked_sort3A_125, %masked_sort3A_126 = tpu.sort %or3A_111, %or3A_111 masked %masked_sort3A_123 {descending = true} : (vector<16xi32>, vector<16xi32>, vector<16xi1>) -> (vector<16xi1>, vector<16xi32>, vector<16xi32>)
      %rev3A = arith.constant 15 : i32
      %rev3A_127 = vector.broadcast %rev3A : i32 to vector<16xi32>
      %rev3A_128 = tpu.iota {dimensions = array<i32: 0>} : vector<16xi32>
      %rev3A_129 = arith.subi %rev3A_127, %rev3A_128 : vector<16xi32>
      %rev3A_130 = tpu.dynamic_gather %masked_sort3A_117[%rev3A_129] in [0] : vector<16xi32>, vector<16xi32> -> vector<16xi32>
      %max3A_131 = arith.maxui %masked_sort3A_113, %rev3A_130 : vector<16xi32>
      %rev3A_132 = arith.constant 15 : i32
      %rev3A_133 = vector.broadcast %rev3A_132 : i32 to vector<16xi32>
      %rev3A_134 = tpu.iota {dimensions = array<i32: 0>} : vector<16xi32>
      %rev3A_135 = arith.subi %rev3A_133, %rev3A_134 : vector<16xi32>
      %rev3A_136 = tpu.dynamic_gather %masked_sort3A_125[%rev3A_135] in [0] : vector<16xi32>, vector<16xi32> -> vector<16xi32>
      %max3A_137 = arith.maxui %masked_sort3A_121, %rev3A_136 : vector<16xi32>
      %masked_sort3A_138 = arith.constant dense<true> : vector<16xi1>
      %masked_sort3A_139, %masked_sort3A_140, %masked_sort3A_141 = tpu.sort %max3A_131, %max3A_131 masked %masked_sort3A_138 {descending = true} : (vector<16xi32>, vector<16xi32>, vector<16xi1>) -> (vector<16xi1>, vector<16xi32>, vector<16xi32>)
      %masked_sort3A_142 = arith.constant dense<true> : vector<16xi1>
      %masked_sort3A_143, %masked_sort3A_144, %masked_sort3A_145 = tpu.sort %max3A_137, %max3A_137 masked %masked_sort3A_142 {descending = true} : (vector<16xi32>, vector<16xi32>, vector<16xi1>) -> (vector<16xi1>, vector<16xi32>, vector<16xi32>)
      %rev3A_146 = arith.constant 15 : i32
      %rev3A_147 = vector.broadcast %rev3A_146 : i32 to vector<16xi32>
      %rev3A_148 = tpu.iota {dimensions = array<i32: 0>} : vector<16xi32>
      %rev3A_149 = arith.subi %rev3A_147, %rev3A_148 : vector<16xi32>
      %rev3A_150 = tpu.dynamic_gather %masked_sort3A_144[%rev3A_149] in [0] : vector<16xi32>, vector<16xi32> -> vector<16xi32>
      %max3A_151 = arith.maxui %masked_sort3A_140, %rev3A_150 : vector<16xi32>
      %masked_sort3A_152 = arith.constant dense<true> : vector<16xi1>
      %masked_sort3A_153, %masked_sort3A_154, %masked_sort3A_155 = tpu.sort %max3A_151, %max3A_151 masked %masked_sort3A_152 {descending = true} : (vector<16xi32>, vector<16xi32>, vector<16xi1>) -> (vector<16xi1>, vector<16xi32>, vector<16xi32>)
      %and3A_156 = arith.constant 63 : i32
      %and3A_157 = vector.broadcast %and3A_156 : i32 to vector<16xi32>
      %and3A_158 = arith.andi %masked_sort3A_154, %and3A_157 : vector<16xi32>
      %sub3A_159 = arith.constant 63 : i32
      %sub3A_160 = vector.broadcast %sub3A_159 : i32 to vector<16xi32>
      %sub3A_161 = arith.subi %sub3A_160, %and3A_158 : vector<16xi32>
      %broadcast_in_dim3A_162 = vector.broadcast %scan3A_10 : i32 to vector<16xi32>
      %gather3A = tpu.vector_load_idx %arg7[%broadcast_in_dim3A_162, %sub3A_161] : memref<64x64xf32, #tpu.memory_space<vmem>>[vector<16xi32>, vector<16xi32>], vector<16xf32>,
      %jit3A = arith.constant 0.000000e+00 : f32
      %broadcast_in_dim3A_163 = vector.broadcast %jit3A : f32 to vector<16xf32>
      %select_n3A = arith.select %lt3A_4, %gather3A, %broadcast_in_dim3A_163 : vector<16xi1>, vector<16xf32>
      %reduce_sum3A_164 = arith.constant true
      %reduce_sum3A_165 = vector.broadcast %reduce_sum3A_164 : i1 to vector<16xi1>
      %reduce_sum3A_166 = tpu.scan <sum>, %select_n3A masked %reduce_sum3A_165 : vector<16xf32>, vector<16xi1> -> vector<16xf32>
      %reduce_sum3A_167 = vector.extract %reduce_sum3A_166[15] : f32 from vector<16xf32>
      %broadcast_in_dim3A_168 = vector.broadcast %reduce_sum3A_167 : f32 to vector<16xf32>
      %div3A_169 = arith.divf %select_n3A, %broadcast_in_dim3A_168 : vector<16xf32>
      tpu.vector_store_idx %arg8[%broadcast_in_dim3A_162, %iota3A], %div3A_169 masked %lt3A_4 : memref<64x8xf32, #tpu.memory_space<vmem>>[vector<16xi32>, vector<16xi32>], vector<16xf32>, vector<16xi1>
      tpu.vector_store_idx %arg9[%broadcast_in_dim3A_162, %iota3A], %sub3A_161 masked %lt3A_4 : memref<64x8xi32, #tpu.memory_space<vmem>>[vector<16xi32>, vector<16xi32>], vector<16xi32>, vector<16xi1>
    }
    %scan3A_9 = arith.constant 64 : i32
    "tpu.region"() ({
      %run_scoped3A = tpu.sem_alloc : memref<!tpu.dma_semaphore, #tpu.memory_space<semaphore_mem>>
      %dma_start3A = arith.constant 0 : i32
      %dma_start3A_10 = tpu.memref_slice %arg3[%mul3A_2, %dma_start3A] : memref<2048x64xf32, #tpu.memory_space<hbm>> -> memref<64x64xf32, #tpu.memory_space<hbm>>
      %dma_start3A_11 = arith.constant 0 : i32
      %dma_start3A_12 = tpu.memref_slice %arg3[%mul3A_2, %dma_start3A_11] : memref<2048x64xf32, #tpu.memory_space<hbm>> -> memref<64x64xf32, #tpu.memory_space<hbm>>
      tpu.enqueue_dma source(%arg7 : memref<64x64xf32, #tpu.memory_space<vmem>>) target(%dma_start3A_12 : memref<64x64xf32, #tpu.memory_space<hbm>>) target_semaphore(%run_scoped3A : memref<!tpu.dma_semaphore, #tpu.memory_space<semaphore_mem>>)
      %dma_wait3A = arith.constant 0 : i32
      %dma_wait3A_13 = tpu.memref_slice %arg3[%mul3A_2, %dma_wait3A] : memref<2048x64xf32, #tpu.memory_space<hbm>> -> memref<64x64xf32, #tpu.memory_space<hbm>>
      %dma_wait3A_14 = arith.constant 0 : i32
      %dma_wait3A_15 = tpu.memref_slice %arg3[%mul3A_2, %dma_wait3A_14] : memref<2048x64xf32, #tpu.memory_space<hbm>> -> memref<64x64xf32, #tpu.memory_space<hbm>>
      tpu.wait_dma2 semaphore(%run_scoped3A : memref<!tpu.dma_semaphore, #tpu.memory_space<semaphore_mem>>) src(%arg7 : memref<64x64xf32, #tpu.memory_space<vmem>>) dst(%dma_wait3A_15 : memref<64x64xf32, #tpu.memory_space<hbm>>)
      tpu.yield
    }) : () -> ()
    "tpu.region"() ({
      %run_scoped3A = tpu.sem_alloc : memref<!tpu.dma_semaphore, #tpu.memory_space<semaphore_mem>>
      %dma_start3A = arith.constant 0 : i32
      %dma_start3A_10 = tpu.memref_slice %arg4[%mul3A_2, %dma_start3A] : memref<2048x8xf32, #tpu.memory_space<hbm>> -> memref<64x8xf32, #tpu.memory_space<hbm>>
      %dma_start3A_11 = arith.constant 0 : i32
      %dma_start3A_12 = tpu.memref_slice %arg4[%mul3A_2, %dma_start3A_11] : memref<2048x8xf32, #tpu.memory_space<hbm>> -> memref<64x8xf32, #tpu.memory_space<hbm>>
      tpu.enqueue_dma source(%arg8 : memref<64x8xf32, #tpu.memory_space<vmem>>) target(%dma_start3A_12 : memref<64x8xf32, #tpu.memory_space<hbm>>) target_semaphore(%run_scoped3A : memref<!tpu.dma_semaphore, #tpu.memory_space<semaphore_mem>>)
      %dma_wait3A = arith.constant 0 : i32
      %dma_wait3A_13 = tpu.memref_slice %arg4[%mul3A_2, %dma_wait3A] : memref<2048x8xf32, #tpu.memory_space<hbm>> -> memref<64x8xf32, #tpu.memory_space<hbm>>
      %dma_wait3A_14 = arith.constant 0 : i32
      %dma_wait3A_15 = tpu.memref_slice %arg4[%mul3A_2, %dma_wait3A_14] : memref<2048x8xf32, #tpu.memory_space<hbm>> -> memref<64x8xf32, #tpu.memory_space<hbm>>
      tpu.wait_dma2 semaphore(%run_scoped3A : memref<!tpu.dma_semaphore, #tpu.memory_space<semaphore_mem>>) src(%arg8 : memref<64x8xf32, #tpu.memory_space<vmem>>) dst(%dma_wait3A_15 : memref<64x8xf32, #tpu.memory_space<hbm>>)
      tpu.yield
    }) : () -> ()
    "tpu.region"() ({
      %run_scoped3A = tpu.sem_alloc : memref<!tpu.dma_semaphore, #tpu.memory_space<semaphore_mem>>
      %dma_start3A = arith.constant 0 : i32
      %dma_start3A_10 = tpu.memref_slice %arg5[%mul3A_2, %dma_start3A] : memref<2048x8xi32, #tpu.memory_space<hbm>> -> memref<64x8xi32, #tpu.memory_space<hbm>>
      %dma_start3A_11 = arith.constant 0 : i32
      %dma_start3A_12 = tpu.memref_slice %arg5[%mul3A_2, %dma_start3A_11] : memref<2048x8xi32, #tpu.memory_space<hbm>> -> memref<64x8xi32, #tpu.memory_space<hbm>>
      tpu.enqueue_dma source(%arg9 : memref<64x8xi32, #tpu.memory_space<vmem>>) target(%dma_start3A_12 : memref<64x8xi32, #tpu.memory_space<hbm>>) target_semaphore(%run_scoped3A : memref<!tpu.dma_semaphore, #tpu.memory_space<semaphore_mem>>)
      %dma_wait3A = arith.constant 0 : i32
      %dma_wait3A_13 = tpu.memref_slice %arg5[%mul3A_2, %dma_wait3A] : memref<2048x8xi32, #tpu.memory_space<hbm>> -> memref<64x8xi32, #tpu.memory_space<hbm>>
      %dma_wait3A_14 = arith.constant 0 : i32
      %dma_wait3A_15 = tpu.memref_slice %arg5[%mul3A_2, %dma_wait3A_14] : memref<2048x8xi32, #tpu.memory_space<hbm>> -> memref<64x8xi32, #tpu.memory_space<hbm>>
      tpu.wait_dma2 semaphore(%run_scoped3A : memref<!tpu.dma_semaphore, #tpu.memory_space<semaphore_mem>>) src(%arg9 : memref<64x8xi32, #tpu.memory_space<vmem>>) dst(%dma_wait3A_15 : memref<64x8xi32, #tpu.memory_space<hbm>>)
      tpu.yield
    }) : () -> ()
    return
  }
}

#map = affine_map<(d0, d1) -> (0, 0)>
module attributes {stable_mosaic.version = 14 : i64} {
  func.func @_sc_router_body(%arg0: i32, %arg1: i32, %arg2: memref<2048x64xf32, #tpu.memory_space<hbm>>, %arg3: memref<2048x64xf32, #tpu.memory_space<hbm>>, %arg4: memref<2048x8xf32, #tpu.memory_space<hbm>>, %arg5: memref<2048x8xi32, #tpu.memory_space<hbm>>, %arg6: memref<64x64xf32, #tpu.memory_space<vmem>>, %arg7: memref<64x64xf32, #tpu.memory_space<vmem>>, %arg8: memref<64x8xf32, #tpu.memory_space<vmem>>, %arg9: memref<64x8xi32, #tpu.memory_space<vmem>>, %arg10: memref<!tpu.dma_semaphore, #tpu.memory_space<semaphore_mem>>) attributes {dimension_semantics = [#tpu.dimension_semantics<core_parallel>, #tpu.dimension_semantics<subcore_parallel>], iteration_bounds = array<i64: 2, 16>, scalar_prefetch = 0 : i64, scratch_operands = 5 : i64, tpu.core_type = #tpu.core_type<sc_vector_subcore>, window_params = [{transform_indices = #map}, {transform_indices = #map}, {transform_indices = #map}, {transform_indices = #map}]} {
    %mul3A = arith.constant 2 : i32
    %mul3A_0 = arith.muli %arg1, %mul3A : i32
    %add3A = arith.addi %mul3A_0, %arg0 : i32
    %mul3A_1 = arith.constant 64 : i32
    %mul3A_2 = arith.muli %add3A, %mul3A_1 : i32
    "tpu.region"() ({
      %run_scoped3A = tpu.sem_alloc : memref<!tpu.dma_semaphore, #tpu.memory_space<semaphore_mem>>
      %dma_start3A = arith.constant 0 : i32
      %dma_start3A_10 = tpu.memref_slice %arg2[%mul3A_2, %dma_start3A] : memref<2048x64xf32, #tpu.memory_space<hbm>> -> memref<64x64xf32, #tpu.memory_space<hbm>>
      %dma_start3A_11 = arith.constant 0 : i32
      %dma_start3A_12 = tpu.memref_slice %arg2[%mul3A_2, %dma_start3A_11] : memref<2048x64xf32, #tpu.memory_space<hbm>> -> memref<64x64xf32, #tpu.memory_space<hbm>>
      tpu.enqueue_dma source(%dma_start3A_12 : memref<64x64xf32, #tpu.memory_space<hbm>>) target(%arg6 : memref<64x64xf32, #tpu.memory_space<vmem>>) target_semaphore(%run_scoped3A : memref<!tpu.dma_semaphore, #tpu.memory_space<semaphore_mem>>)
      %dma_wait3A = arith.constant 0 : i32
      %dma_wait3A_13 = tpu.memref_slice %arg2[%mul3A_2, %dma_wait3A] : memref<2048x64xf32, #tpu.memory_space<hbm>> -> memref<64x64xf32, #tpu.memory_space<hbm>>
      %dma_wait3A_14 = arith.constant 0 : i32
      %dma_wait3A_15 = tpu.memref_slice %arg2[%mul3A_2, %dma_wait3A_14] : memref<2048x64xf32, #tpu.memory_space<hbm>> -> memref<64x64xf32, #tpu.memory_space<hbm>>
      tpu.wait_dma2 semaphore(%run_scoped3A : memref<!tpu.dma_semaphore, #tpu.memory_space<semaphore_mem>>) src(%dma_wait3A_15 : memref<64x64xf32, #tpu.memory_space<hbm>>) dst(%arg6 : memref<64x64xf32, #tpu.memory_space<vmem>>)
      tpu.yield
    }) : () -> ()
    %iota3A = tpu.iota {dimensions = array<i32: 0>} : vector<16xi32>
    %lt3A = arith.constant 8 : i32
    %lt3A_3 = vector.broadcast %lt3A : i32 to vector<16xi32>
    %lt3A_4 = arith.cmpi slt, %iota3A, %lt3A_3 : vector<16xi32>
    %scan3A = arith.constant 0 : i32
    %scan3A_5 = arith.constant 0 : i32
    %scan3A_6 = arith.constant 64 : i32
    %scan3A_7 = arith.addi %scan3A_5, %scan3A_6 : i32
    %scan3A_8 = arith.constant 1 : i32
    scf.for %scan3A_10 = %scan3A_5 to %scan3A_7 step %scan3A_8  : i32 {
      %get3A = arith.index_cast %scan3A_10 : i32 to index
      %get3A_11 = arith.constant 0 : index
      %get3A_12 = tpu.vector_load %arg6[%get3A, %get3A_11] {strides = array<i32>} : memref<64x64xf32, #tpu.memory_space<vmem>>, vector<16xf32>,
      %get3A_13 = arith.index_cast %scan3A_10 : i32 to index
      %get3A_14 = arith.constant 16 : index
      %get3A_15 = tpu.vector_load %arg6[%get3A_13, %get3A_14] {strides = array<i32>} : memref<64x64xf32, #tpu.memory_space<vmem>>, vector<16xf32>,
      %get3A_16 = arith.index_cast %scan3A_10 : i32 to index
      %get3A_17 = arith.constant 32 : index
      %get3A_18 = tpu.vector_load %arg6[%get3A_16, %get3A_17] {strides = array<i32>} : memref<64x64xf32, #tpu.memory_space<vmem>>, vector<16xf32>,
      %get3A_19 = arith.index_cast %scan3A_10 : i32 to index
      %get3A_20 = arith.constant 48 : index
      %get3A_21 = tpu.vector_load %arg6[%get3A_19, %get3A_20] {strides = array<i32>} : memref<64x64xf32, #tpu.memory_space<vmem>>, vector<16xf32>,
      %max3A = arith.maximumf %get3A_12, %get3A_15 : vector<16xf32>
      %max3A_22 = arith.maximumf %get3A_18, %get3A_21 : vector<16xf32>
      %max3A_23 = arith.maximumf %max3A, %max3A_22 : vector<16xf32>
      %reduce_max3A = arith.constant true
      %reduce_max3A_24 = vector.broadcast %reduce_max3A : i1 to vector<16xi1>
      %reduce_max3A_25 = tpu.scan <max>, %max3A_23 masked %reduce_max3A_24 : vector<16xf32>, vector<16xi1> -> vector<16xf32>
      %reduce_max3A_26 = vector.extract %reduce_max3A_25[15] : f32 from vector<16xf32>
      %sub3A = vector.broadcast %reduce_max3A_26 : f32 to vector<16xf32>
      %sub3A_27 = arith.subf %get3A_12, %sub3A : vector<16xf32>
      %exp3A = math.exp %sub3A_27 : vector<16xf32>
      %sub3A_28 = vector.broadcast %reduce_max3A_26 : f32 to vector<16xf32>
      %sub3A_29 = arith.subf %get3A_15, %sub3A_28 : vector<16xf32>
      %exp3A_30 = math.exp %sub3A_29 : vector<16xf32>
      %sub3A_31 = vector.broadcast %reduce_max3A_26 : f32 to vector<16xf32>
      %sub3A_32 = arith.subf %get3A_18, %sub3A_31 : vector<16xf32>
      %exp3A_33 = math.exp %sub3A_32 : vector<16xf32>
      %sub3A_34 = vector.broadcast %reduce_max3A_26 : f32 to vector<16xf32>
      %sub3A_35 = arith.subf %get3A_21, %sub3A_34 : vector<16xf32>
      %exp3A_36 = math.exp %sub3A_35 : vector<16xf32>
      %add3A_37 = arith.addf %exp3A, %exp3A_30 : vector<16xf32>
      %add3A_38 = arith.addf %add3A_37, %exp3A_33 : vector<16xf32>
      %add3A_39 = arith.addf %add3A_38, %exp3A_36 : vector<16xf32>
      %reduce_sum3A = arith.constant true
      %reduce_sum3A_40 = vector.broadcast %reduce_sum3A : i1 to vector<16xi1>
      %reduce_sum3A_41 = tpu.scan <sum>, %add3A_39 masked %reduce_sum3A_40 : vector<16xf32>, vector<16xi1> -> vector<16xf32>
      %reduce_sum3A_42 = vector.extract %reduce_sum3A_41[15] : f32 from vector<16xf32>
      %broadcast_in_dim3A = arith.constant 1.000000e+00 : f32
      %broadcast_in_dim3A_43 = vector.broadcast %broadcast_in_dim3A : f32 to vector<16xf32>
      %broadcast_in_dim3A_44 = vector.broadcast %reduce_sum3A_42 : f32 to vector<16xf32>
      %div3A = arith.divf %broadcast_in_dim3A_43, %broadcast_in_dim3A_44 : vector<16xf32>
      %mul3A_45 = arith.mulf %exp3A, %div3A : vector<16xf32>
      %mul3A_46 = arith.mulf %exp3A_30, %div3A : vector<16xf32>
      %mul3A_47 = arith.mulf %exp3A_33, %div3A : vector<16xf32>
      %mul3A_48 = arith.mulf %exp3A_36, %div3A : vector<16xf32>
      %swap3A = arith.index_cast %scan3A_10 : i32 to index
      %swap3A_49 = arith.constant 0 : index
      %swap3A_50 = tpu.vector_load %arg7[%swap3A, %swap3A_49] {strides = array<i32>} : memref<64x64xf32, #tpu.memory_space<vmem>>, vector<16xf32>,
      tpu.vector_store %arg7[%swap3A, %swap3A_49], %mul3A_45 {strides = array<i32>} : memref<64x64xf32, #tpu.memory_space<vmem>>, vector<16xf32>,
      %bitcast3A = vector.bitcast %mul3A_45 : vector<16xf32> to vector<16xi32>
      %shift_left3A = arith.constant 2 : i32
      %shift_left3A_51 = vector.broadcast %shift_left3A : i32 to vector<16xi32>
      %shift_left3A_52 = arith.shli %bitcast3A, %shift_left3A_51 : vector<16xi32>
      %add3A_53 = arith.constant 8 : i32
      %add3A_54 = vector.broadcast %add3A_53 : i32 to vector<16xi32>
      %add3A_55 = arith.addi %shift_left3A_52, %add3A_54 : vector<16xi32>
      %and3A = arith.constant -64 : i32
      %and3A_56 = vector.broadcast %and3A : i32 to vector<16xi32>
      %and3A_57 = arith.andi %add3A_55, %and3A_56 : vector<16xi32>
      %sub3A_58 = arith.constant 63 : i32
      %sub3A_59 = vector.broadcast %sub3A_58 : i32 to vector<16xi32>
      %sub3A_60 = arith.subi %sub3A_59, %iota3A : vector<16xi32>
      %or3A = arith.ori %and3A_57, %sub3A_60 : vector<16xi32>
      %swap3A_61 = arith.index_cast %scan3A_10 : i32 to index
      %swap3A_62 = arith.constant 16 : index
      %swap3A_63 = tpu.vector_load %arg7[%swap3A_61, %swap3A_62] {strides = array<i32>} : memref<64x64xf32, #tpu.memory_space<vmem>>, vector<16xf32>,
      tpu.vector_store %arg7[%swap3A_61, %swap3A_62], %mul3A_46 {strides = array<i32>} : memref<64x64xf32, #tpu.memory_space<vmem>>, vector<16xf32>,
      %bitcast3A_64 = vector.bitcast %mul3A_46 : vector<16xf32> to vector<16xi32>
      %shift_left3A_65 = arith.constant 2 : i32
      %shift_left3A_66 = vector.broadcast %shift_left3A_65 : i32 to vector<16xi32>
      %shift_left3A_67 = arith.shli %bitcast3A_64, %shift_left3A_66 : vector<16xi32>
      %add3A_68 = arith.constant 8 : i32
      %add3A_69 = vector.broadcast %add3A_68 : i32 to vector<16xi32>
      %add3A_70 = arith.addi %shift_left3A_67, %add3A_69 : vector<16xi32>
      %and3A_71 = arith.constant -64 : i32
      %and3A_72 = vector.broadcast %and3A_71 : i32 to vector<16xi32>
      %and3A_73 = arith.andi %add3A_70, %and3A_72 : vector<16xi32>
      %sub3A_74 = arith.constant 47 : i32
      %sub3A_75 = vector.broadcast %sub3A_74 : i32 to vector<16xi32>
      %sub3A_76 = arith.subi %sub3A_75, %iota3A : vector<16xi32>
      %or3A_77 = arith.ori %and3A_73, %sub3A_76 : vector<16xi32>
      %swap3A_78 = arith.index_cast %scan3A_10 : i32 to index
      %swap3A_79 = arith.constant 32 : index
      %swap3A_80 = tpu.vector_load %arg7[%swap3A_78, %swap3A_79] {strides = array<i32>} : memref<64x64xf32, #tpu.memory_space<vmem>>, vector<16xf32>,
      tpu.vector_store %arg7[%swap3A_78, %swap3A_79], %mul3A_47 {strides = array<i32>} : memref<64x64xf32, #tpu.memory_space<vmem>>, vector<16xf32>,
      %bitcast3A_81 = vector.bitcast %mul3A_47 : vector<16xf32> to vector<16xi32>
      %shift_left3A_82 = arith.constant 2 : i32
      %shift_left3A_83 = vector.broadcast %shift_left3A_82 : i32 to vector<16xi32>
      %shift_left3A_84 = arith.shli %bitcast3A_81, %shift_left3A_83 : vector<16xi32>
      %add3A_85 = arith.constant 8 : i32
      %add3A_86 = vector.broadcast %add3A_85 : i32 to vector<16xi32>
      %add3A_87 = arith.addi %shift_left3A_84, %add3A_86 : vector<16xi32>
      %and3A_88 = arith.constant -64 : i32
      %and3A_89 = vector.broadcast %and3A_88 : i32 to vector<16xi32>
      %and3A_90 = arith.andi %add3A_87, %and3A_89 : vector<16xi32>
      %sub3A_91 = arith.constant 31 : i32
      %sub3A_92 = vector.broadcast %sub3A_91 : i32 to vector<16xi32>
      %sub3A_93 = arith.subi %sub3A_92, %iota3A : vector<16xi32>
      %or3A_94 = arith.ori %and3A_90, %sub3A_93 : vector<16xi32>
      %swap3A_95 = arith.index_cast %scan3A_10 : i32 to index
      %swap3A_96 = arith.constant 48 : index
      %swap3A_97 = tpu.vector_load %arg7[%swap3A_95, %swap3A_96] {strides = array<i32>} : memref<64x64xf32, #tpu.memory_space<vmem>>, vector<16xf32>,
      tpu.vector_store %arg7[%swap3A_95, %swap3A_96], %mul3A_48 {strides = array<i32>} : memref<64x64xf32, #tpu.memory_space<vmem>>, vector<16xf32>,
      %bitcast3A_98 = vector.bitcast %mul3A_48 : vector<16xf32> to vector<16xi32>
      %shift_left3A_99 = arith.constant 2 : i32
      %shift_left3A_100 = vector.broadcast %shift_left3A_99 : i32 to vector<16xi32>
      %shift_left3A_101 = arith.shli %bitcast3A_98, %shift_left3A_100 : vector<16xi32>
      %add3A_102 = arith.constant 8 : i32
      %add3A_103 = vector.broadcast %add3A_102 : i32 to vector<16xi32>
      %add3A_104 = arith.addi %shift_left3A_101, %add3A_103 : vector<16xi32>
      %and3A_105 = arith.constant -64 : i32
      %and3A_106 = vector.broadcast %and3A_105 : i32 to vector<16xi32>
      %and3A_107 = arith.andi %add3A_104, %and3A_106 : vector<16xi32>
      %sub3A_108 = arith.constant 15 : i32
      %sub3A_109 = vector.broadcast %sub3A_108 : i32 to vector<16xi32>
      %sub3A_110 = arith.subi %sub3A_109, %iota3A : vector<16xi32>
      %or3A_111 = arith.ori %and3A_107, %sub3A_110 : vector<16xi32>
      %masked_sort3A = arith.constant dense<true> : vector<16xi1>
      %masked_sort3A_112, %masked_sort3A_113, %masked_sort3A_114 = tpu.sort %or3A, %or3A masked %masked_sort3A {descending = true} : (vector<16xi32>, vector<16xi32>, vector<16xi1>) -> (vector<16xi1>, vector<16xi32>, vector<16xi32>)
      %masked_sort3A_115 = arith.constant dense<true> : vector<16xi1>
      %masked_sort3A_116, %masked_sort3A_117, %masked_sort3A_118 = tpu.sort %or3A_77, %or3A_77 masked %masked_sort3A_115 {descending = true} : (vector<16xi32>, vector<16xi32>, vector<16xi1>) -> (vector<16xi1>, vector<16xi32>, vector<16xi32>)
      %masked_sort3A_119 = arith.constant dense<true> : vector<16xi1>
      %masked_sort3A_120, %masked_sort3A_121, %masked_sort3A_122 = tpu.sort %or3A_94, %or3A_94 masked %masked_sort3A_119 {descending = true} : (vector<16xi32>, vector<16xi32>, vector<16xi1>) -> (vector<16xi1>, vector<16xi32>, vector<16xi32>)
      %masked_sort3A_123 = arith.constant dense<true> : vector<16xi1>
      %masked_sort3A_124, %masked_sort3A_125, %masked_sort3A_126 = tpu.sort %or3A_111, %or3A_111 masked %masked_sort3A_123 {descending = true} : (vector<16xi32>, vector<16xi32>, vector<16xi1>) -> (vector<16xi1>, vector<16xi32>, vector<16xi32>)
      %rev3A = arith.constant 15 : i32
      %rev3A_127 = vector.broadcast %rev3A : i32 to vector<16xi32>
      %rev3A_128 = tpu.iota {dimensions = array<i32: 0>} : vector<16xi32>
      %rev3A_129 = arith.subi %rev3A_127, %rev3A_128 : vector<16xi32>
      %rev3A_130 = tpu.dynamic_gather %masked_sort3A_117[%rev3A_129] in [0] : vector<16xi32>, vector<16xi32> -> vector<16xi32>
      %max3A_131 = arith.maxui %masked_sort3A_113, %rev3A_130 : vector<16xi32>
      %rev3A_132 = arith.constant 15 : i32
      %rev3A_133 = vector.broadcast %rev3A_132 : i32 to vector<16xi32>
      %rev3A_134 = tpu.iota {dimensions = array<i32: 0>} : vector<16xi32>
      %rev3A_135 = arith.subi %rev3A_133, %rev3A_134 : vector<16xi32>
      %rev3A_136 = tpu.dynamic_gather %masked_sort3A_125[%rev3A_135] in [0] : vector<16xi32>, vector<16xi32> -> vector<16xi32>
      %max3A_137 = arith.maxui %masked_sort3A_121, %rev3A_136 : vector<16xi32>
      %masked_sort3A_138 = arith.constant dense<true> : vector<16xi1>
      %masked_sort3A_139, %masked_sort3A_140, %masked_sort3A_141 = tpu.sort %max3A_131, %max3A_131 masked %masked_sort3A_138 {descending = true} : (vector<16xi32>, vector<16xi32>, vector<16xi1>) -> (vector<16xi1>, vector<16xi32>, vector<16xi32>)
      %masked_sort3A_142 = arith.constant dense<true> : vector<16xi1>
      %masked_sort3A_143, %masked_sort3A_144, %masked_sort3A_145 = tpu.sort %max3A_137, %max3A_137 masked %masked_sort3A_142 {descending = true} : (vector<16xi32>, vector<16xi32>, vector<16xi1>) -> (vector<16xi1>, vector<16xi32>, vector<16xi32>)
      %rev3A_146 = arith.constant 15 : i32
      %rev3A_147 = vector.broadcast %rev3A_146 : i32 to vector<16xi32>
      %rev3A_148 = tpu.iota {dimensions = array<i32: 0>} : vector<16xi32>
      %rev3A_149 = arith.subi %rev3A_147, %rev3A_148 : vector<16xi32>
      %rev3A_150 = tpu.dynamic_gather %masked_sort3A_144[%rev3A_149] in [0] : vector<16xi32>, vector<16xi32> -> vector<16xi32>
      %max3A_151 = arith.maxui %masked_sort3A_140, %rev3A_150 : vector<16xi32>
      %masked_sort3A_152 = arith.constant dense<true> : vector<16xi1>
      %masked_sort3A_153, %masked_sort3A_154, %masked_sort3A_155 = tpu.sort %max3A_151, %max3A_151 masked %masked_sort3A_152 {descending = true} : (vector<16xi32>, vector<16xi32>, vector<16xi1>) -> (vector<16xi1>, vector<16xi32>, vector<16xi32>)
      %and3A_156 = arith.constant 63 : i32
      %and3A_157 = vector.broadcast %and3A_156 : i32 to vector<16xi32>
      %and3A_158 = arith.andi %masked_sort3A_154, %and3A_157 : vector<16xi32>
      %sub3A_159 = arith.constant 63 : i32
      %sub3A_160 = vector.broadcast %sub3A_159 : i32 to vector<16xi32>
      %sub3A_161 = arith.subi %sub3A_160, %and3A_158 : vector<16xi32>
      %broadcast_in_dim3A_162 = vector.broadcast %scan3A_10 : i32 to vector<16xi32>
      %gather3A = tpu.vector_load_idx %arg7[%broadcast_in_dim3A_162, %sub3A_161] : memref<64x64xf32, #tpu.memory_space<vmem>>[vector<16xi32>, vector<16xi32>], vector<16xf32>,
      %jit3A = arith.constant 0.000000e+00 : f32
      %broadcast_in_dim3A_163 = vector.broadcast %jit3A : f32 to vector<16xf32>
      %select_n3A = arith.select %lt3A_4, %gather3A, %broadcast_in_dim3A_163 : vector<16xi1>, vector<16xf32>
      %reduce_sum3A_164 = arith.constant true
      %reduce_sum3A_165 = vector.broadcast %reduce_sum3A_164 : i1 to vector<16xi1>
      %reduce_sum3A_166 = tpu.scan <sum>, %select_n3A masked %reduce_sum3A_165 : vector<16xf32>, vector<16xi1> -> vector<16xf32>
      %reduce_sum3A_167 = vector.extract %reduce_sum3A_166[15] : f32 from vector<16xf32>
      %broadcast_in_dim3A_168 = vector.broadcast %reduce_sum3A_167 : f32 to vector<16xf32>
      %div3A_169 = arith.divf %select_n3A, %broadcast_in_dim3A_168 : vector<16xf32>
      tpu.vector_store_idx %arg8[%broadcast_in_dim3A_162, %iota3A], %div3A_169 masked %lt3A_4 : memref<64x8xf32, #tpu.memory_space<vmem>>[vector<16xi32>, vector<16xi32>], vector<16xf32>, vector<16xi1>
      tpu.vector_store_idx %arg9[%broadcast_in_dim3A_162, %iota3A], %sub3A_161 masked %lt3A_4 : memref<64x8xi32, #tpu.memory_space<vmem>>[vector<16xi32>, vector<16xi32>], vector<16xi32>, vector<16xi1>
    }
    %scan3A_9 = arith.constant 64 : i32
    "tpu.region"() ({
      %run_scoped3A = tpu.sem_alloc : memref<!tpu.dma_semaphore, #tpu.memory_space<semaphore_mem>>
      %dma_start3A = arith.constant 0 : i32
      %dma_start3A_10 = tpu.memref_slice %arg3[%mul3A_2, %dma_start3A] : memref<2048x64xf32, #tpu.memory_space<hbm>> -> memref<64x64xf32, #tpu.memory_space<hbm>>
      %dma_start3A_11 = arith.constant 0 : i32
      %dma_start3A_12 = tpu.memref_slice %arg3[%mul3A_2, %dma_start3A_11] : memref<2048x64xf32, #tpu.memory_space<hbm>> -> memref<64x64xf32, #tpu.memory_space<hbm>>
      tpu.enqueue_dma source(%arg7 : memref<64x64xf32, #tpu.memory_space<vmem>>) target(%dma_start3A_12 : memref<64x64xf32, #tpu.memory_space<hbm>>) target_semaphore(%run_scoped3A : memref<!tpu.dma_semaphore, #tpu.memory_space<semaphore_mem>>)
      %dma_wait3A = arith.constant 0 : i32
      %dma_wait3A_13 = tpu.memref_slice %arg3[%mul3A_2, %dma_wait3A] : memref<2048x64xf32, #tpu.memory_space<hbm>> -> memref<64x64xf32, #tpu.memory_space<hbm>>
      %dma_wait3A_14 = arith.constant 0 : i32
      %dma_wait3A_15 = tpu.memref_slice %arg3[%mul3A_2, %dma_wait3A_14] : memref<2048x64xf32, #tpu.memory_space<hbm>> -> memref<64x64xf32, #tpu.memory_space<hbm>>
      tpu.wait_dma2 semaphore(%run_scoped3A : memref<!tpu.dma_semaphore, #tpu.memory_space<semaphore_mem>>) src(%arg7 : memref<64x64xf32, #tpu.memory_space<vmem>>) dst(%dma_wait3A_15 : memref<64x64xf32, #tpu.memory_space<hbm>>)
      tpu.yield
    }) : () -> ()
    "tpu.region"() ({
      %run_scoped3A = tpu.sem_alloc : memref<!tpu.dma_semaphore, #tpu.memory_space<semaphore_mem>>
      %dma_start3A = arith.constant 0 : i32
      %dma_start3A_10 = tpu.memref_slice %arg4[%mul3A_2, %dma_start3A] : memref<2048x8xf32, #tpu.memory_space<hbm>> -> memref<64x8xf32, #tpu.memory_space<hbm>>
      %dma_start3A_11 = arith.constant 0 : i32
      %dma_start3A_12 = tpu.memref_slice %arg4[%mul3A_2, %dma_start3A_11] : memref<2048x8xf32, #tpu.memory_space<hbm>> -> memref<64x8xf32, #tpu.memory_space<hbm>>
      tpu.enqueue_dma source(%arg8 : memref<64x8xf32, #tpu.memory_space<vmem>>) target(%dma_start3A_12 : memref<64x8xf32, #tpu.memory_space<hbm>>) target_semaphore(%run_scoped3A : memref<!tpu.dma_semaphore, #tpu.memory_space<semaphore_mem>>)
      %dma_wait3A = arith.constant 0 : i32
      %dma_wait3A_13 = tpu.memref_slice %arg4[%mul3A_2, %dma_wait3A] : memref<2048x8xf32, #tpu.memory_space<hbm>> -> memref<64x8xf32, #tpu.memory_space<hbm>>
      %dma_wait3A_14 = arith.constant 0 : i32
      %dma_wait3A_15 = tpu.memref_slice %arg4[%mul3A_2, %dma_wait3A_14] : memref<2048x8xf32, #tpu.memory_space<hbm>> -> memref<64x8xf32, #tpu.memory_space<hbm>>
      tpu.wait_dma2 semaphore(%run_scoped3A : memref<!tpu.dma_semaphore, #tpu.memory_space<semaphore_mem>>) src(%arg8 : memref<64x8xf32, #tpu.memory_space<vmem>>) dst(%dma_wait3A_15 : memref<64x8xf32, #tpu.memory_space<hbm>>)
      tpu.yield
    }) : () -> ()
    "tpu.region"() ({
      %run_scoped3A = tpu.sem_alloc : memref<!tpu.dma_semaphore, #tpu.memory_space<semaphore_mem>>
      %dma_start3A = arith.constant 0 : i32
      %dma_start3A_10 = tpu.memref_slice %arg5[%mul3A_2, %dma_start3A] : memref<2048x8xi32, #tpu.memory_space<hbm>> -> memref<64x8xi32, #tpu.memory_space<hbm>>
      %dma_start3A_11 = arith.constant 0 : i32
      %dma_start3A_12 = tpu.memref_slice %arg5[%mul3A_2, %dma_start3A_11] : memref<2048x8xi32, #tpu.memory_space<hbm>> -> memref<64x8xi32, #tpu.memory_space<hbm>>
      tpu.enqueue_dma source(%arg9 : memref<64x8xi32, #tpu.memory_space<vmem>>) target(%dma_start3A_12 : memref<64x8xi32, #tpu.memory_space<hbm>>) target_semaphore(%run_scoped3A : memref<!tpu.dma_semaphore, #tpu.memory_space<semaphore_mem>>)
      %dma_wait3A = arith.constant 0 : i32
      %dma_wait3A_13 = tpu.memref_slice %arg5[%mul3A_2, %dma_wait3A] : memref<2048x8xi32, #tpu.memory_space<hbm>> -> memref<64x8xi32, #tpu.memory_space<hbm>>
      %dma_wait3A_14 = arith.constant 0 : i32
      %dma_wait3A_15 = tpu.memref_slice %arg5[%mul3A_2, %dma_wait3A_14] : memref<2048x8xi32, #tpu.memory_space<hbm>> -> memref<64x8xi32, #tpu.memory_space<hbm>>
      tpu.wait_dma2 semaphore(%run_scoped3A : memref<!tpu.dma_semaphore, #tpu.memory_space<semaphore_mem>>) src(%arg9 : memref<64x8xi32, #tpu.memory_space<vmem>>) dst(%dma_wait3A_15 : memref<64x8xi32, #tpu.memory_space<hbm>>)
      tpu.yield
    }) : () -> ()
    return
  }
}

module attributes {stable_mosaic.version = 14 : i64} {
  func.func @_logits_block(%arg0: i32, %arg1: memref<1024x4096xf32, #tpu.memory_space<vmem>>, %arg2: memref<64x4096xf32, #tpu.memory_space<vmem>>, %arg3: memref<1024x64xf32, #tpu.memory_space<vmem>>) attributes {dimension_semantics = [#tpu.dimension_semantics<arbitrary>], iteration_bounds = array<i64: 2>, scalar_prefetch = 0 : i64, scratch_operands = 0 : i64, tpu.core_type = #tpu.core_type<tc>, window_params = [{transform_indices = @transform_0, window_bounds = array<i64: 1024, 4096>}, {pipeline_mode = #tpu.pipeline_mode<synchronous>, transform_indices = @transform_1, window_bounds = array<i64: 64, 4096>}, {transform_indices = @transform_2, window_bounds = array<i64: 1024, 64>}]} {
    %get3A = arith.constant 0 : index
    %get3A_0 = arith.constant 0 : index
    %get3A_1 = vector.load %arg1[%get3A, %get3A_0] : memref<1024x4096xf32, #tpu.memory_space<vmem>>, vector<1024x4096xf32>
    %get3A_2 = arith.constant 0 : index
    %get3A_3 = arith.constant 0 : index
    %get3A_4 = vector.load %arg2[%get3A_2, %get3A_3] : memref<64x4096xf32, #tpu.memory_space<vmem>>, vector<64x4096xf32>
    %dot_general3A = arith.constant dense<0.000000e+00> : vector<1024x64xf32>
    %dot_general3A_5 = tpu.matmul %get3A_1, %get3A_4, %dot_general3A {dimension_numbers = #tpu.dot_dimension_numbers<[1], [1], [0], [0], [0, 0, 1, 0], [], []>, transpose_lhs_hint = false} : vector<1024x4096xf32>, vector<64x4096xf32>, vector<1024x64xf32> -> vector<1024x64xf32>
    %swap3A = arith.constant 0 : index
    %swap3A_6 = arith.constant 0 : index
    %swap3A_7 = vector.load %arg3[%swap3A, %swap3A_6] : memref<1024x64xf32, #tpu.memory_space<vmem>>, vector<1024x64xf32>
    tpu.vector_store %arg3[%swap3A, %swap3A_6], %dot_general3A_5 {strides = array<i32>} : memref<1024x64xf32, #tpu.memory_space<vmem>>, vector<1024x64xf32>,
    return
  }
  func.func @transform_0(%arg0: i32) -> (i32, i32) {
    %add3A = arith.constant 2 : i32
    %add3A_0 = arith.addi %add3A, %arg0 : i32
    %c0_i32 = arith.constant 0 : i32
    %c0_i32_1 = arith.constant 0 : i32
    return %add3A_0, %c0_i32 : i32, i32
  }
  func.func @transform_1(%arg0: i32) -> (i32, i32) {
    %c0_i32 = arith.constant 0 : i32
    %c0_i32_0 = arith.constant 0 : i32
    %c0_i32_1 = arith.constant 0 : i32
    return %c0_i32, %c0_i32_0 : i32, i32
  }
  func.func @transform_2(%arg0: i32) -> (i32, i32) {
    %c0_i32 = arith.constant 0 : i32
    %c0_i32_0 = arith.constant 0 : i32
    return %arg0, %c0_i32 : i32, i32
  }
}

module attributes {stable_mosaic.version = 14 : i64} {
  func.func @_logits_block(%arg0: i32, %arg1: memref<1024x4096xf32, #tpu.memory_space<vmem>>, %arg2: memref<64x4096xf32, #tpu.memory_space<vmem>>, %arg3: memref<1024x64xf32, #tpu.memory_space<vmem>>) attributes {dimension_semantics = [#tpu.dimension_semantics<arbitrary>], iteration_bounds = array<i64: 2>, scalar_prefetch = 0 : i64, scratch_operands = 0 : i64, tpu.core_type = #tpu.core_type<tc>, window_params = [{transform_indices = @transform_0, window_bounds = array<i64: 1024, 4096>}, {pipeline_mode = #tpu.pipeline_mode<synchronous>, transform_indices = @transform_1, window_bounds = array<i64: 64, 4096>}, {transform_indices = @transform_2, window_bounds = array<i64: 1024, 64>}]} {
    %get3A = arith.constant 0 : index
    %get3A_0 = arith.constant 0 : index
    %get3A_1 = vector.load %arg1[%get3A, %get3A_0] : memref<1024x4096xf32, #tpu.memory_space<vmem>>, vector<1024x4096xf32>
    %get3A_2 = arith.constant 0 : index
    %get3A_3 = arith.constant 0 : index
    %get3A_4 = vector.load %arg2[%get3A_2, %get3A_3] : memref<64x4096xf32, #tpu.memory_space<vmem>>, vector<64x4096xf32>
    %dot_general3A = arith.constant dense<0.000000e+00> : vector<1024x64xf32>
    %dot_general3A_5 = tpu.matmul %get3A_1, %get3A_4, %dot_general3A {dimension_numbers = #tpu.dot_dimension_numbers<[1], [1], [0], [0], [0, 0, 1, 0], [], []>, transpose_lhs_hint = false} : vector<1024x4096xf32>, vector<64x4096xf32>, vector<1024x64xf32> -> vector<1024x64xf32>
    %swap3A = arith.constant 0 : index
    %swap3A_6 = arith.constant 0 : index
    %swap3A_7 = vector.load %arg3[%swap3A, %swap3A_6] : memref<1024x64xf32, #tpu.memory_space<vmem>>, vector<1024x64xf32>
    tpu.vector_store %arg3[%swap3A, %swap3A_6], %dot_general3A_5 {strides = array<i32>} : memref<1024x64xf32, #tpu.memory_space<vmem>>, vector<1024x64xf32>,
    return
  }
  func.func @transform_0(%arg0: i32) -> (i32, i32) {
    %add3A = arith.constant 4 : i32
    %add3A_0 = arith.addi %add3A, %arg0 : i32
    %c0_i32 = arith.constant 0 : i32
    %c0_i32_1 = arith.constant 0 : i32
    return %add3A_0, %c0_i32 : i32, i32
  }
  func.func @transform_1(%arg0: i32) -> (i32, i32) {
    %c0_i32 = arith.constant 0 : i32
    %c0_i32_0 = arith.constant 0 : i32
    %c0_i32_1 = arith.constant 0 : i32
    return %c0_i32, %c0_i32_0 : i32, i32
  }
  func.func @transform_2(%arg0: i32) -> (i32, i32) {
    %c0_i32 = arith.constant 0 : i32
    %c0_i32_0 = arith.constant 0 : i32
    return %arg0, %c0_i32 : i32, i32
  }
}

module attributes {stable_mosaic.version = 14 : i64} {
  func.func @_logits_block(%arg0: i32, %arg1: memref<1024x4096xf32, #tpu.memory_space<vmem>>, %arg2: memref<64x4096xf32, #tpu.memory_space<vmem>>, %arg3: memref<1024x64xf32, #tpu.memory_space<vmem>>) attributes {dimension_semantics = [#tpu.dimension_semantics<arbitrary>], iteration_bounds = array<i64: 2>, scalar_prefetch = 0 : i64, scratch_operands = 0 : i64, tpu.core_type = #tpu.core_type<tc>, window_params = [{transform_indices = @transform_0, window_bounds = array<i64: 1024, 4096>}, {pipeline_mode = #tpu.pipeline_mode<synchronous>, transform_indices = @transform_1, window_bounds = array<i64: 64, 4096>}, {transform_indices = @transform_2, window_bounds = array<i64: 1024, 64>}]} {
    %get3A = arith.constant 0 : index
    %get3A_0 = arith.constant 0 : index
    %get3A_1 = vector.load %arg1[%get3A, %get3A_0] : memref<1024x4096xf32, #tpu.memory_space<vmem>>, vector<1024x4096xf32>
    %get3A_2 = arith.constant 0 : index
    %get3A_3 = arith.constant 0 : index
    %get3A_4 = vector.load %arg2[%get3A_2, %get3A_3] : memref<64x4096xf32, #tpu.memory_space<vmem>>, vector<64x4096xf32>
    %dot_general3A = arith.constant dense<0.000000e+00> : vector<1024x64xf32>
    %dot_general3A_5 = tpu.matmul %get3A_1, %get3A_4, %dot_general3A {dimension_numbers = #tpu.dot_dimension_numbers<[1], [1], [0], [0], [0, 0, 1, 0], [], []>, transpose_lhs_hint = false} : vector<1024x4096xf32>, vector<64x4096xf32>, vector<1024x64xf32> -> vector<1024x64xf32>
    %swap3A = arith.constant 0 : index
    %swap3A_6 = arith.constant 0 : index
    %swap3A_7 = vector.load %arg3[%swap3A, %swap3A_6] : memref<1024x64xf32, #tpu.memory_space<vmem>>, vector<1024x64xf32>
    tpu.vector_store %arg3[%swap3A, %swap3A_6], %dot_general3A_5 {strides = array<i32>} : memref<1024x64xf32, #tpu.memory_space<vmem>>, vector<1024x64xf32>,
    return
  }
  func.func @transform_0(%arg0: i32) -> (i32, i32) {
    %add3A = arith.constant 6 : i32
    %add3A_0 = arith.addi %add3A, %arg0 : i32
    %c0_i32 = arith.constant 0 : i32
    %c0_i32_1 = arith.constant 0 : i32
    return %add3A_0, %c0_i32 : i32, i32
  }
  func.func @transform_1(%arg0: i32) -> (i32, i32) {
    %c0_i32 = arith.constant 0 : i32
    %c0_i32_0 = arith.constant 0 : i32
    %c0_i32_1 = arith.constant 0 : i32
    return %c0_i32, %c0_i32_0 : i32, i32
  }
  func.func @transform_2(%arg0: i32) -> (i32, i32) {
    %c0_i32 = arith.constant 0 : i32
    %c0_i32_0 = arith.constant 0 : i32
    return %arg0, %c0_i32 : i32, i32
  }
}

module attributes {stable_mosaic.version = 14 : i64} {
  func.func @_logits_block(%arg0: i32, %arg1: memref<1024x4096xf32, #tpu.memory_space<vmem>>, %arg2: memref<64x4096xf32, #tpu.memory_space<vmem>>, %arg3: memref<1024x64xf32, #tpu.memory_space<vmem>>) attributes {dimension_semantics = [#tpu.dimension_semantics<arbitrary>], iteration_bounds = array<i64: 2>, scalar_prefetch = 0 : i64, scratch_operands = 0 : i64, tpu.core_type = #tpu.core_type<tc>, window_params = [{transform_indices = @transform_0, window_bounds = array<i64: 1024, 4096>}, {pipeline_mode = #tpu.pipeline_mode<synchronous>, transform_indices = @transform_1, window_bounds = array<i64: 64, 4096>}, {transform_indices = @transform_2, window_bounds = array<i64: 1024, 64>}]} {
    %get3A = arith.constant 0 : index
    %get3A_0 = arith.constant 0 : index
    %get3A_1 = vector.load %arg1[%get3A, %get3A_0] : memref<1024x4096xf32, #tpu.memory_space<vmem>>, vector<1024x4096xf32>
    %get3A_2 = arith.constant 0 : index
    %get3A_3 = arith.constant 0 : index
    %get3A_4 = vector.load %arg2[%get3A_2, %get3A_3] : memref<64x4096xf32, #tpu.memory_space<vmem>>, vector<64x4096xf32>
    %dot_general3A = arith.constant dense<0.000000e+00> : vector<1024x64xf32>
    %dot_general3A_5 = tpu.matmul %get3A_1, %get3A_4, %dot_general3A {dimension_numbers = #tpu.dot_dimension_numbers<[1], [1], [0], [0], [0, 0, 1, 0], [], []>, transpose_lhs_hint = false} : vector<1024x4096xf32>, vector<64x4096xf32>, vector<1024x64xf32> -> vector<1024x64xf32>
    %swap3A = arith.constant 0 : index
    %swap3A_6 = arith.constant 0 : index
    %swap3A_7 = vector.load %arg3[%swap3A, %swap3A_6] : memref<1024x64xf32, #tpu.memory_space<vmem>>, vector<1024x64xf32>
    tpu.vector_store %arg3[%swap3A, %swap3A_6], %dot_general3A_5 {strides = array<i32>} : memref<1024x64xf32, #tpu.memory_space<vmem>>, vector<1024x64xf32>,
    return
  }
  func.func @transform_0(%arg0: i32) -> (i32, i32) {
    %add3A = arith.constant 0 : i32
    %add3A_0 = arith.addi %add3A, %arg0 : i32
    %c0_i32 = arith.constant 0 : i32
    %c0_i32_1 = arith.constant 0 : i32
    return %add3A_0, %c0_i32 : i32, i32
  }
  func.func @transform_1(%arg0: i32) -> (i32, i32) {
    %c0_i32 = arith.constant 0 : i32
    %c0_i32_0 = arith.constant 0 : i32
    %c0_i32_1 = arith.constant 0 : i32
    return %c0_i32, %c0_i32_0 : i32, i32
  }
  func.func @transform_2(%arg0: i32) -> (i32, i32) {
    %c0_i32 = arith.constant 0 : i32
    %c0_i32_0 = arith.constant 0 : i32
    return %arg0, %c0_i32 : i32, i32
  }
}

</mosaic_0001>

<sc_bundles>
// kernel: kernel.10.cloned.1.call-start
scs
__scs_entry_jumppad:
0x0: {  	(pc) =	sbr.rel $0x88, $3  }
0x1: {  	(tag) =	ssettag $0x0;
	lr =	simm.s32 $0x1  }
0x2: {  	[smem:$0x3F9F] =	sst lr;
	_ =	strace $0xD0000000  }
0x3: {  	_ = 	snop  }
0x4: {  	_ = 	snop  }
0x5: {  	_ = 	snop  }
0x6: {  	_ = 	snop  }
0x7: {  	_ = 	snop  }
__scs_overlays_trampoline_lowered:
0x8: {  	[smem:$0x3FAE] =	sst s0  }
0x9: {  	[smem:$0x3FAF] =	sst s1  }
0xa: {  	[smem:$0x3FB0] =	sst s2  }
0xb: {  	[smem:$0x3FB1] =	sst s3  }
0xc: {  	[smem:$0x3FB2] =	sst s4  }
0xd: {  	[smem:$0x3FB3] =	sst s5  }
0xe: {  	[smem:$0x3FB4] =	sst s6  }
0xf: {  	[smem:$0x3FB5] =	sst s7  }
0x10: {  	[smem:$0x3FB6] =	sst s8  }
0x11: {  	[smem:$0x3FB7] =	sst s9;
	s0 =	simm.s32 @!p0 $0x0  }
0x12: {  	s1 =	sld [smem:$0x3F9D];
	s0 =	simm.s32 @p0 $0x1  }
0x13: {  	[smem:$0x3FB8] =	sst s0;
	s0 =	simm.s32 @!p1 $0x0  }
0x14: {  	s2 =	sld [smem:$0x3F9C];
	s0 =	simm.s32 @p1 $0x1  }
0x15: {  	[smem:$0x3FB9] =	sst s0;
	s0 =	simm.s32 @!p2 $0x0  }
0x16: {  	s3 =	sld [smem:$0x3FDB];
	s0 =	simm.s32 @p2 $0x1  }
0x17: {  	s4 =	simm.s32 $0x1BF5;
	[smem:$0x3FBB] =	sst s0  }
0x18: {  	s0 =	sld [smem:$0x3F9E];
	_ =	swait.ge [sflag:s4], $0x0  }
0x19: {  	s7 =	sld [smem:$0x3F9F]  }
0x1a: {  	s8 =	sadd.s32 $0xFFFFE003, lr  }
0x1b: {  	s9 =	sadd.s32 $0xFFFFFEF7, lr;
	s5 =	simm.s32 $0xFFFFFFFF;
	p2 =	slt.u32 s8, $0xFFFFF086  }
0x1c: {  	p1 =	slt.u32 s9, $0xF7A;
	s5 =	simm.s32 @!p2 $0x0  }
0x1d: {  	s5 =	simm.s32 @p1 $0x1;
	p0 =	seq.s32 s7, s2  }
0x1e: {  	s7 =	smul.u32 @!p0 $0xF7A, s2;
	p2 =	seq.s32 @!p0 s5, $0x0  }
0x1f: {  	s9 =	smul.u32 $0xF7A, s1;
	s8 =	simm.s32 @!p0 $0x1BF5;
	p2 =	por !p2, p0  }
0x20: {  	[sflag:s8] =	ssyncset.s32 @!p0 $0xFFFFF086;
	s6 =	sadd.s32 @!p0 s3, s7;
	s7 =	simm.s32 @!p0 $0x108  }
0x21: {  	s3 =	sadd.s32 s3, s9;
	s6 =	sadd.s32 @!p0 $0x88, s6;
	s7 =	simm.s32 @p2 $0x1082  }
0x22: {  	[simem:s7], [sflag:s8] =	dma.local @!p0 [hbm:s6], $0xF7A  }
0x23: {  	s9 =	sor.u32 $0xD0000000, s2;
	s6 =	simm.s32 $0x108;
	_ =	swait.ge @!p0 [sflag:s8], $0x0  }
0x24: {  	s3 =	sadd.s32 $0x88, s3;
	s6 =	simm.s32 @!p1 $0x1082;
	[sflag:s4] =	ssyncset.s32 $0xFFFFF086  }
0x25: {  	[simem:s6], [sflag:s4] =	dma.local [hbm:s3], $0xF7A  }
0x26: {  	[smem:$0x3F9F] =	sst s1;
	(tag) =	ssettag s2;
	_ =	strace s9  }
0x27: {  	s1 =	sld [smem:$0x3FAF]  }
0x28: {  	s2 =	sld [smem:$0x3FB0]  }
0x29: {  	s4 =	sld [smem:$0x3FB2]  }
0x2a: {  	p0 =	seq.s32 s5, $0x0;
	s5 =	sld [smem:$0x3FB3]  }
0x2b: {  	s6 =	sld [smem:$0x3FB4]  }
0x2c: {  	s7 =	sld [smem:$0x3FB5]  }
0x2d: {  	s3 =	simm.s32 $0x108;
	s8 =	sld [smem:$0x3FB6]  }
0x2e: {  	s3 =	simm.s32 @!p0 $0x1082;
	s9 =	sld [smem:$0x3FB7]  }
0x2f: {  	lr =	sadd.s32 s0, s3;
	s0 =	sld [smem:$0x3FAE]  }
0x30: {  	s3 =	sld [smem:$0x3FB1]  }
0x31: {  	[smem:$0x3FBA] =	sst s10  }
0x32: {  	s10 =	sld [smem:$0x3FB8];
	_ =	sdelay $0x3  }
0x33: {  	p0 =	seq.s32 s10, $0x1;
	s10 =	sld [smem:$0x3FBA];
	_ =	sdelay $0x3  }
0x34: {  	[smem:$0x3FBA] =	sst s10  }
0x35: {  	s10 =	sld [smem:$0x3FB9];
	_ =	sdelay $0x3  }
0x36: {  	p1 =	seq.s32 s10, $0x1;
	s10 =	sld [smem:$0x3FBA];
	_ =	sdelay $0x3  }
0x37: {  	[smem:$0x3FBA] =	sst s10  }
0x38: {  	s10 =	sld [smem:$0x3FBB]  }
0x39: {  	_ = 	snop;
	(pc) =	sbr.ind lr, $3  }
0x3a: {  	_ = 	snop  }
0x3b: {  	_ = 	snop  }
0x3c: {  	p2 =	seq.s32 s10, $0x1;
	s10 =	sld [smem:$0x3FBA]  }
0x3d: {  	_ =	shalt  }
0x3e: {  	_ =	shalt  }
0x3f: {  	_ =	shalt  }
0x40: {  	_ =	shalt  }
0x41: {  	_ =	shalt  }
0x42: {  	_ =	shalt  }
0x43: {  	_ =	shalt  }
0x44: {  	_ =	shalt  }
0x45: {  	_ =	shalt  }
0x46: {  	_ =	shalt  }
0x47: {  	_ =	shalt  }
0x48: {  	_ =	shalt  }
0x49: {  	_ =	shalt  }
0x4a: {  	_ =	shalt  }
0x4b: {  	_ =	shalt  }
0x4c: {  	_ =	shalt  }
0x4d: {  	_ =	shalt  }
0x4e: {  	_ =	shalt  }
0x4f: {  	_ =	shalt  }
0x50: {  	_ =	shalt  }
0x51: {  	_ =	shalt  }
0x52: {  	_ =	shalt  }
0x53: {  	_ =	shalt  }
0x54: {  	_ =	shalt  }
0x55: {  	_ =	shalt  }
0x56: {  	_ =	shalt  }
0x57: {  	_ =	shalt  }
0x58: {  	_ =	shalt  }
0x59: {  	_ =	shalt  }
0x5a: {  	_ =	shalt  }
0x5b: {  	_ =	shalt  }
0x5c: {  	_ =	shalt  }
0x5d: {  	_ =	shalt  }
0x5e: {  	_ =	shalt  }
0x5f: {  	_ =	shalt  }
0x60: {  	_ =	shalt  }
0x61: {  	_ =	shalt  }
0x62: {  	_ =	shalt  }
0x63: {  	_ =	shalt  }
0x64: {  	_ =	shalt  }
0x65: {  	_ =	shalt  }
0x66: {  	_ =	shalt  }
0x67: {  	_ =	shalt  }
0x68: {  	_ =	shalt  }
0x69: {  	_ =	shalt  }
0x6a: {  	_ =	shalt  }
0x6b: {  	_ =	shalt  }
0x6c: {  	_ =	shalt  }
0x6d: {  	_ =	shalt  }
0x6e: {  	_ =	shalt  }
0x6f: {  	_ =	shalt  }
0x70: {  	_ =	shalt  }
0x71: {  	_ =	shalt  }
0x72: {  	_ =	shalt  }
0x73: {  	_ =	shalt  }
0x74: {  	_ =	shalt  }
0x75: {  	_ =	shalt  }
0x76: {  	_ =	shalt  }
0x77: {  	_ =	shalt  }
0x78: {  	_ =	shalt  }
0x79: {  	_ =	shalt  }
0x7a: {  	_ =	shalt  }
0x7b: {  	_ =	shalt  }
0x7c: {  	_ =	shalt  }
0x7d: {  	_ =	shalt  }
0x7e: {  	_ =	shalt  }
0x7f: {  	_ =	shalt  }
0x80: {  	_ =	shalt  }
0x81: {  	_ =	shalt  }
0x82: {  	_ =	shalt  }
0x83: {  	_ =	shalt  }
0x84: {  	_ =	shalt  }
0x85: {  	_ =	shalt  }
0x86: {  	_ =	shalt  }
0x87: {  	_ =	shalt  }
.Lfunc_end0:
.L_simem_size_0:
called_computation_lowered:
.L_overlay_start_0:
0x88: {  	s2 =	sld [smem:$0x3FD9]  }
0x89: {  	s3 =	sld [smem:$0x3FFE];
	_ =	sdelay $0x1  }
0x8a: {  	s1 =	srdreg.scid  }
0x8b: {  	s0 =	sand.u32 $0x1, s1  }
0x8c: {  	s16 =	sshll.u32 s0, $0xA;
	s2 =	sadd.s32 s3, s2  }
0x8d: {  	s2 =	sadd.s32 s2, s16  }
0x8e: {  	[smem:$0x3FC6] =	sst s2  }
0x8f: {  	_ = 	snop  }
0x90: {  	(tm) =	ssettm $0x1  }
0x91: {  	s17 =	sld [smem:$0x3FFB];
	_ =	sdelay $0x3  }
0x92: {  	_ =	strace s17  }
0x93: {  	s2 =	sld [smem:$0x3FFC];
	_ =	sdelay $0x3  }
0x94: {  	_ =	strace s2  }
0x95: {  	s2 =	sld [smem:$0x3FFD];
	_ =	sdelay $0x3  }
0x96: {  	_ =	strace s2  }
0x97: {  	_ =	strace $0x8FFFFFFF  }
0x98: {  	s18 =	sld [smem:$0x3FDB];
	_ =	sdelay $0x1  }
0x99: {  	s19 =	simm.s32 $_scs_section_size  }
0x9a: {  	s4 =	simm.s32 $_size__tile_overlayer_lowered;
	s5 =	simm.s32 $_tile_overlayer_lowered  }
0x9b: {  	s22 =	simm.s32 $0x1BFF;
	s21 =	sshll.u32 s5, $0x1;
	s2 =	sadd.s32 s19, s18  }
0x9c: {  	s6 =	simm.s32 $0x0;
	s20 =	sshll.u32 s4, $0x1;
	s4 =	sadd.s32 s21, s2  }
0x9d: {  	[timem:s6], [sflag:s22] =	dma.local [hbm:s4], s20  }
0x9e: {  	_ =	swait.ge [sflag:s22], s20  }
0x9f: {  	s3 =	ssub.s32 $0x0, s20;
	[sflag:s22] =	ssyncset.done $0x0  }
0xa0: {  	[sflag:s22] =	ssyncadd.s32 s3;
	_ =	sdelay $0x1  }
0xa1: {  	s23 =	simm.s32 $0x1B8B  }
0xa2: {  	_ =	swait.ge [sflag:s23], $0x1  }
0xa3: {  	[sflag:s23] =	ssyncset.done $0x0  }
0xa4: {  	s25 =	simm.s32 $0x1B8E;
	s24 =	sld [smem:$0x3FFE];
	[sflag:s23] =	ssyncadd.s32 $0xFFFFFFFF  }
0xa5: {  	s26 =	simm.s32 $execute0_lowered;
	[smem:$0x3FD2] =	sst s25  }
0xa6: {  	s4 =	sshll.u32 s26, $0x1;
	_ =	strace $0x80000046;
	[dreg:$0x1] =	wrdreg $0xFFFFFFFF  }
0xa7: {  	s28 =	simm.s32 $_size_execute0_lowered;
	s2 =	sadd.s32 s2, s4;
	[dreg:$0x0] =	wrdreg $0x0  }
0xa8: {  	s4 =	sshll.u32 s28, $0x1;
	[dreg:$0x2] =	wrdreg s2  }
0xa9: {  	[dreg:$0x3] =	wrdreg s4  }
0xaa: {  	[dreg:$0x4] =	wrdreg $0xC0  }
0xab: {  	_ =	task [dreg:s6], $0x5FFFF  }
0xac: {  	[dreg:$0x1] =	wrdreg $0xFFFFFFFF  }
0xad: {  	[dreg:$0x0] =	wrdreg $0x60  }
0xae: {  	[dreg:$0x2] =	wrdreg s24  }
0xaf: {  	[dreg:$0x3] =	wrdreg $0x9  }
0xb0: {  	_ =	task.clear_ibuf [dreg:s6], $0x4FFFF;
	_ =	strace $0x90000046  }
0xb1: {  	s29 =	simm.s32 $0x9;
	_ =	strace $0x80000048  }
0xb2: {  	_ =	swait.ge [sflag:s29], $0x1  }
0xb3: {  	[sflag:s29] =	ssyncadd.s32 $0xFFFFFFFF  }
0xb4: {  	_ =	strace $0x90000048  }
0xb5: {  	_ =	sfence  }
0xb6: {  	s30 =	sld [smem:$0x0];
	_ =	sdelay $0x2  }
0xb7: {  	s31 =	sshll.u32 s1, $0xD;
	s1 =	sshrl.u32 s1, $0x2  }
0xb8: {  	s3 =	sand.u32 $0x4000, s31;
	s1 =	sadd.s32 s1, s30  }
0xb9: {  	s0 =	sor.u32 s3, s0;
	s1 =	sshll.u32 s1, $0x11  }
0xba: {  	s0 =	sor.u32 s1, s0  }
0xbb: {  	s0 =	sadd.s32 $0x8F2B, s0  }
0xbc: {  	[sflag:s0] =	ssyncadd.remote.s32 $0x1  }
0xbd: {  	_ =	sfence.sel $0xFFFF  }
0xbe: {  	[dreg:$0x0] =	wrdreg $0xFFFFFFFF;
	(pc) =	sbr.abs _section_cstart, $3  }
0xbf: {  	[dreg:$0x1] =	wrdreg $0xFFFFFFFF  }
0xc0: {  	_ =	task.clear_ibuf [dreg:s6], $0x2FFFF;
	_ =	strace $0x9FFFFFFF  }
0xc1: {  	(tm) =	ssettm $0x7FFFFFFF  }
tec
execute0_lowered:
.L_overlay_start_1:
0x0: {  	(tag) =	ssettag $0x1  }
0x1: {  	s0 =	srdreg.scid  }
0x2: {  	s3 =	rddreg [dreg:$0x0];
	s1 =	stileid.u32;
	s2 =	simm.s32 $0x0  }
0x3: {  	s8 =	simm.s32 $0x1;
	s9 =	simm.s32 $0x2000;
	s10 =	simm.s32 $0x4000  }
0x4: {  	s11 =	simm.s32 $0x6000;
	s12 =	simm.s32 $0x0;
	s4 =	sand.u32 $0x1, s0  }
0x5: {  	v0 =	vlaneseq.u32;
	s0 =	rddreg [dreg:$0x1];
	s5 =	sshll.u32 s1, $0xB;
	s6 =	sshll.u32 s4, $0xA  }
0x6: {  	[smem:$0x7FF] =	sst s2;
	v4 =	vmul.u32 $0xFFFFFFFF, v0;
	s4 =	ssub.s32 $0x2, s4;
	s5 =	sor.u32 s6, s5  }
0x7: {  	_ =	strace $0x80000047;
	s31 =	sshrl.u32 s4, $0x1;
	s6 =	sadd.s32 s5, s3  }
0x8: {  	vm0 =	vmmov $0xff;
	v1 =	vadd.s32 $0x3F, v4;
	s7 =	ssub.s32 s4, s31;
	s3 =	sadd.s32 $0x3200, s6;
	s4 =	sadd.s32 $0x1B200, s6  }
0x9: {  	v2 =	vadd.s32 $0x2F, v4;
	v3 =	vadd.s32 $0x1F, v4;
	v4 =	vadd.s32 $0xF, v4;
	s5 =	sadd.s32 $0xB200, s6;
	s6 =	sadd.s32 $0x13200, s6;
	s7 =	smax.u32 s7, $0x1  }
.LBB2_1:
0xa: {  	[tilespmem:s2], [sflag:$0x1] =	stream.linear.gather [hbm4b:s3+s2], $0x2000, $0x38;
	[tilespmem:$0x8000] =	vst v63  }
0xb: {  	_ =	swait.ge [sflag:s8], $0x2000  }
0xc: {  	[sflag:s8] =	ssyncset.done $0x0  }
0xd: {  	s13 =	simm.s32 $0x20;
	[sflag:s8] =	ssyncadd.s32 $0xFFFFE000  }
0xe: {  	v5 =	vld [tilespmem:s13+$0x10]  }
0xf: {  	v6 =	vld [tilespmem:s13+$0xFFFFFFE0]  }
0x10: {  	v7 =	vld [tilespmem:s13+$0x0]  }
0x11: {  	v8 =	vld [tilespmem:s13+$0xFFFFFFF0];
	_ =	sdelay $0x4  }
0x12: {  	v9 =	vmax.f32 v7, v5;
	v10 =	vmax.f32 v6, v8  }
0x13: {  	v9 =	vmax.f32 v10, v9  }
0x14: {  	(xrf0) =	vmax.scan.msk.f32 $0xffff, v9;
	_ =	sdelay $0x5  }
0x15: {  	v9, _, _ =	vpop (xrf0)  }
0x16: {  	v9 =	vbroadcast v9, $0xF;
	_ =	sdelay $0x1  }
0x17: {  	v6 =	vsub.f32 v6, v9  }
0x18: {  	v8 =	vsub.f32 v8, v9  }
0x19: {  	v6 =	vmul.f32 $1.442695020e+00, v6  }
0x1a: {  	v7 =	vsub.f32 v7, v9;
	v8 =	vmul.f32 $1.442695020e+00, v8  }
0x1b: {  	(erf) = vpow2.f32 v6  }
0x1c: {  	v5 =	vsub.f32 v5, v9;
	v6 =	vmul.f32 $1.442695020e+00, v7;
	(erf) = vpow2.f32 v8;
	_ =	sdelay $0x1  }
0x1d: {  	v5 =	vmul.f32 $1.442695020e+00, v5;
	(erf) = vpow2.f32 v6;
	_ =	sdelay $0x1  }
0x1e: {  	(erf) = vpow2.f32 v5;
	_ =	sdelay $0x3  }
0x1f: {  	v5 =	vpop (erf)  }
0x20: {  	v6 =	vpop (erf)  }
0x21: {  	v7 =	vadd.f32 v6, v5  }
0x22: {  	v8 =	vpop (erf)  }
0x23: {  	v7 =	vadd.f32 v7, v8  }
0x24: {  	v58 =	vpop (erf)  }
0x25: {  	v7 =	vadd.f32 v7, v58;
	_ =	sdelay $0x1  }
0x26: {  	(xrf2) =	vadd.scan.msk.f32 $0xffff, v7;
	_ =	sdelay $0x9  }
0x27: {  	v7, _, _ =	vpop (xrf2)  }
0x28: {  	v7 =	vbroadcast v7, $0xF;
	_ =	sdelay $0x1  }
0x29: {  	(erf) = vrcp.f32 v7;
	_ =	sdelay $0x8  }
0x2a: {  	v7 =	vpop (erf)  }
0x2b: {  	v9 =	vmul.f32 v7, v58  }
0x2c: {  	v6 =	vmul.f32 v7, v6  }
0x2d: {  	v8 =	vmul.f32 v7, v8;
	v59 =	vshll.u32 v9, $0x2  }
0x2e: {  	v7 =	vmul.f32 v7, v5;
	v5 =	vshll.u32 v6, $0x2;
	v10 =	vadd.s32 $0x8, v59  }
0x2f: {  	v11 =	vshll.u32 v8, $0x2;
	v5 =	vadd.s32 $0x8, v5;
	v10 =	vand.u32 $0xFFFFFFC0, v10  }
0x30: {  	v11 =	vadd.s32 $0x8, v11;
	v5 =	vand.u32 $0xFFFFFFC0, v5;
	v10 =	vor.u32 v4, v10  }
0x31: {  	v11 =	vand.u32 $0xFFFFFFC0, v11;
	v5 =	vor.u32 v2, v5;
	(xrf1) =	vsort.dscd.msk.u32 $0xffff, v10, v10  }
0x32: {  	v11 =	vor.u32 v3, v11;
	(xrf1) =	vsort.dscd.msk.u32 $0xffff, v5, v5  }
0x33: {  	v60 =	vshll.u32 v7, $0x2;
	(xrf1) =	vsort.dscd.msk.u32 $0xffff, v11, v11  }
0x34: {  	v10 =	vadd.s32 $0x8, v60  }
0x35: {  	v5 =	vand.u32 $0xFFFFFFC0, v10  }
0x36: {  	v5 =	vor.u32 v1, v5  }
0x37: {  	(xrf1) =	vsort.dscd.msk.u32 $0xffff, v5, v5;
	_ =	sdelay $0x7  }
0x38: {  	v5, _, _ =	vpop (xrf1)  }
0x39: {  	v5 =	vperm.xlane v5, v4;
	v61, _, _ =	vpop (xrf1)  }
0x3a: {  	v11, _, _ =	vpop (xrf1)  }
0x3b: {  	v5 =	vmax.u32 v11, v5;
	_ =	sdelay $0x1  }
0x3c: {  	v10 =	vperm.xlane v61, v4  }
0x3d: {  	(xrf1) =	vsort.dscd.msk.u32 $0xffff, v5, v5;
	v5, _, _ =	vpop (xrf1)  }
0x3e: {  	v5 =	vmax.u32 v5, v10  }
0x3f: {  	(xrf1) =	vsort.dscd.msk.u32 $0xffff, v5, v5;
	_ =	sdelay $0xb  }
0x40: {  	v5, _, _ =	vpop (xrf1)  }
0x41: {  	v5 =	vperm.xlane v5, v4  }
0x42: {  	v62, _, _ =	vpop (xrf1)  }
0x43: {  	v5 =	vmax.u32 v62, v5  }
0x44: {  	(xrf1) =	vsort.dscd.msk.u32 $0xffff, v5, v5;
	_ =	sdelay $0xd  }
0x45: {  	v5, _, _ =	vpop (xrf1)  }
0x46: {  	s16 =	simm.s32 $0x0;
	v5 =	vandn.u32 $0x3F, v5  }
0x47: {  	s14 =	simm.s32 $0x2020;
	v63 =	vor.u32 s16, v5  }
0x48: {  	[tilespmem:s14+$0xFFFFFFF0] =	vst v6  }
0x49: {  	[tilespmem:s14+$0xFFFFFFE0] =	vst v7  }
0x4a: {  	[tilespmem:s14+$0x0] =	vst v8  }
0x4b: {  	[tilespmem:s14+$0x10] =	vst v9  }
0x4c: {  	v6 =	vld.idx.msk [tilespmem:v63+s9+$0x0], $0xffff;
	_ =	sdelay $0x4  }
0x4d: {  	v7 =	vnsel vm0, $0x0, v6  }
0x4e: {  	(xrf2) =	vadd.scan.msk.f32 $0xffff, v7;
	_ =	sdelay $0x9  }
0x4f: {  	v6, _, _ =	vpop (xrf2)  }
0x50: {  	v6 =	vbroadcast v6, $0xF;
	_ =	sdelay $0x1  }
0x51: {  	(erf) = vrcp.f32 v6;
	_ =	sdelay $0x6  }
0x52: {  	v6 =	vor.u32 s16, v0;
	_ =	sdelay $0x1  }
0x53: {  	v8 =	vpop (erf)  }
0x54: {  	s15 =	simm.s32 $0x1;
	v7 =	vmul.f32 v8, v7  }
.LBB2_2:
0x55: {  	_ = 	snop  }
0x56: {  	p0 =	sne.s32 s15, $0x3F;
	s13 =	sadd.s32 $0x80, s13;
	s14 =	sadd.s32 $0x80, s14;
	[tilespmem:v6+s10+$0x0] =	vst.idx.msk $0xff, v7  }
0x57: {  	s16 =	smov.u32 s15;
	s15 =	sadd.s32 $0x1, s15;
	[tilespmem:v6+s11+$0x0] =	vst.idx.msk $0xff, v5  }
0x58: {  	v5 =	vld [tilespmem:s13+$0x10]  }
0x59: {  	v6 =	vld [tilespmem:s13+$0xFFFFFFE0]  }
0x5a: {  	v7 =	vld [tilespmem:s13+$0x0]  }
0x5b: {  	v8 =	vld [tilespmem:s13+$0xFFFFFFF0];
	_ =	sdelay $0x3  }
0x5c: {  	v9 =	vmax.f32 v7, v5  }
0x5d: {  	v10 =	vmax.f32 v6, v8  }
0x5e: {  	v9 =	vmax.f32 v10, v9  }
0x5f: {  	(xrf0) =	vmax.scan.msk.f32 $0xffff, v9;
	_ =	sdelay $0x5  }
0x60: {  	v9, _, _ =	vpop (xrf0)  }
0x61: {  	v9 =	vbroadcast v9, $0xF;
	_ =	sdelay $0x1  }
0x62: {  	v6 =	vsub.f32 v6, v9;
	v7 =	vsub.f32 v7, v9  }
0x63: {  	v8 =	vsub.f32 v8, v9;
	v5 =	vsub.f32 v5, v9  }
0x64: {  	v6 =	vmul.f32 $1.442695020e+00, v6;
	v7 =	vmul.f32 $1.442695020e+00, v7  }
0x65: {  	v8 =	vmul.f32 $1.442695020e+00, v8;
	v5 =	vmul.f32 $1.442695020e+00, v5  }
0x66: {  	(erf) = vpow2.f32 v6  }
0x67: {  	(erf) = vpow2.f32 v8  }
0x68: {  	(erf) = vpow2.f32 v7;
	_ =	sdelay $0x1  }
0x69: {  	(erf) = vpow2.f32 v5;
	_ =	sdelay $0x4  }
0x6a: {  	v5 =	vpop (erf)  }
0x6b: {  	v6 =	vpop (erf)  }
0x6c: {  	v7 =	vadd.f32 v6, v5;
	v8 =	vpop (erf);
	_ =	sdelay $0x1  }
0x6d: {  	v7 =	vadd.f32 v7, v8;
	v9 =	vpop (erf);
	_ =	sdelay $0x1  }
0x6e: {  	v7 =	vadd.f32 v7, v9;
	_ =	sdelay $0x1  }
0x6f: {  	(xrf2) =	vadd.scan.msk.f32 $0xffff, v7;
	_ =	sdelay $0x9  }
0x70: {  	v7, _, _ =	vpop (xrf2)  }
0x71: {  	v7 =	vbroadcast v7, $0xF;
	_ =	sdelay $0x1  }
0x72: {  	(erf) = vrcp.f32 v7;
	_ =	sdelay $0x8  }
0x73: {  	v7 =	vpop (erf)  }
0x74: {  	v6 =	vmul.f32 v7, v6;
	v9 =	vmul.f32 v7, v9  }
0x75: {  	v5 =	vmul.f32 v7, v5;
	v7 =	vmul.f32 v7, v8  }
0x76: {  	[tilespmem:s14+$0xFFFFFFF0] =	vst v6;
	v6 =	vshll.u32 v6, $0x2;
	v8 =	vshll.u32 v9, $0x2  }
0x77: {  	v10 =	vshll.u32 v7, $0x2;
	[tilespmem:s14+$0xFFFFFFE0] =	vst v5;
	v6 =	vadd.s32 $0x8, v6;
	v8 =	vadd.s32 $0x8, v8  }
0x78: {  	v6 =	vand.u32 $0xFFFFFFC0, v6;
	[tilespmem:s14+$0x0] =	vst v7;
	v7 =	vadd.s32 $0x8, v10;
	v8 =	vand.u32 $0xFFFFFFC0, v8  }
0x79: {  	v5 =	vshll.u32 v5, $0x2;
	v7 =	vand.u32 $0xFFFFFFC0, v7;
	[tilespmem:s14+$0x10] =	vst v9;
	v8 =	vor.u32 v4, v8  }
0x7a: {  	v5 =	vadd.s32 $0x8, v5;
	v6 =	vor.u32 v2, v6;
	v7 =	vor.u32 v3, v7;
	(xrf1) =	vsort.dscd.msk.u32 $0xffff, v8, v8  }
0x7b: {  	v5 =	vand.u32 $0xFFFFFFC0, v5;
	(xrf1) =	vsort.dscd.msk.u32 $0xffff, v6, v6  }
0x7c: {  	v5 =	vor.u32 v1, v5;
	(xrf1) =	vsort.dscd.msk.u32 $0xffff, v7, v7  }
0x7d: {  	(xrf1) =	vsort.dscd.msk.u32 $0xffff, v5, v5;
	_ =	sdelay $0xa  }
0x7e: {  	v5, _, _ =	vpop (xrf1)  }
0x7f: {  	v5 =	vperm.xlane v5, v4;
	v6, _, _ =	vpop (xrf1)  }
0x80: {  	v6 =	vperm.xlane v6, v4;
	v7, _, _ =	vpop (xrf1)  }
0x81: {  	v5 =	vmax.u32 v7, v5;
	v7, _, _ =	vpop (xrf1)  }
0x82: {  	v6 =	vmax.u32 v7, v6;
	(xrf1) =	vsort.dscd.msk.u32 $0xffff, v5, v5;
	_ =	sdelay $0x1  }
0x83: {  	(xrf1) =	vsort.dscd.msk.u32 $0xffff, v6, v6;
	_ =	sdelay $0xb  }
0x84: {  	v5, _, _ =	vpop (xrf1)  }
0x85: {  	v5 =	vperm.xlane v5, v4  }
0x86: {  	v6, _, _ =	vpop (xrf1)  }
0x87: {  	v5 =	vmax.u32 v6, v5  }
0x88: {  	(xrf1) =	vsort.dscd.msk.u32 $0xffff, v5, v5;
	_ =	sdelay $0xd  }
0x89: {  	v5, _, _ =	vpop (xrf1)  }
0x8a: {  	s16 =	sshll.u32 s16, $0x7;
	v5 =	vandn.u32 $0x3F, v5  }
0x8b: {  	v6 =	vor.u32 s16, v5;
	_ =	sdelay $0x4  }
0x8c: {  	v6 =	vld.idx.msk [tilespmem:v6+s9+$0x0], $0xffff;
	_ =	sdelay $0x5  }
0x8d: {  	v7 =	vnsel vm0, $0x0, v6  }
0x8e: {  	(xrf2) =	vadd.scan.msk.f32 $0xffff, v7;
	_ =	sdelay $0x9  }
0x8f: {  	v6, _, _ =	vpop (xrf2)  }
0x90: {  	v6 =	vbroadcast v6, $0xF;
	_ =	sdelay $0x1  }
0x91: {  	(erf) = vrcp.f32 v6;
	_ =	sdelay $0x5  }
.Ltmp0:
0x92: {  	(pc) =	sbr.rel @p0 .LBB2_2-.Ltmp0, $3  }
0x93: {  	v6 =	vor.u32 s16, v0;
	_ =	sdelay $0x1  }
0x94: {  	v8 =	vpop (erf)  }
0x95: {  	v7 =	vmul.f32 v8, v7  }
0x96: {  	_ =	sdelay $0x3  }
0x97: {  	[tilespmem:v6+s10+$0x0] =	vst.idx.msk $0xff, v7  }
0x98: {  	[tilespmem:v6+s11+$0x0] =	vst.idx.msk $0xff, v5  }
0x99: {  	[hbm4b:s4+s2] =	stream.linear.scatter [tilespmem:s9], [sflag:$0x1], $0x2000, $0x38;
	[tilespmem:$0x8000] =	vst v63  }
0x9a: {  	_ =	swait.ge [sflag:s8], $0x2000  }
0x9b: {  	[sflag:s8] =	ssyncset.done $0x0  }
0x9c: {  	[sflag:s8] =	ssyncadd.s32 $0xFFFFE000  }
0x9d: {  	[hbm4b:s5+s2] =	stream.linear.scatter [tilespmem:s10], [sflag:$0x1], $0x2000, $0x38;
	[tilespmem:$0x8000] =	vst v63  }
0x9e: {  	s12 =	sadd.s32 $0x1, s12;
	_ =	swait.ge [sflag:s8], $0x2000  }
0x9f: {  	p0 =	sne.s32 s12, s7;
	[sflag:s8] =	ssyncset.done $0x0  }
.Ltmp1:
0xa0: {  	[sflag:s8] =	ssyncadd.s32 $0xFFFFE000;
	(pc) =	sbr.rel @p0 .LBB2_1-.Ltmp1, $4  }
0xa1: {  	[hbm4b:s6+s2] =	stream.linear.scatter [tilespmem:s11], [sflag:$0x1], $0x2000, $0x38;
	[tilespmem:$0x8000] =	vst v63  }
0xa2: {  	_ =	swait.ge [sflag:s8], $0x2000  }
0xa3: {  	[sflag:s8] =	ssyncset.done $0x0  }
0xa4: {  	[sflag:s8] =	ssyncadd.s32 $0xFFFFE000  }
0xa5: {  	_ =	sfence.sel $0x180000  }
0xa6: {  	[bflag:$0x0] =	sbarrier.arrive $0xFFFF  }
0xa7: {  	p0 =	sne.s32 s1, $0x0;
	_ =	strace $0x90000047  }
0xa8: {  	s0 =	sadd.s32 @!p0 $0x100000, s0;
	[bflag:$0x2] =	sbarrier.arrive $0xFFFF  }
0xa9: {  	[sflag:s0] =	ssyncadd.tile.s32 @!p0 $0x1;
	_ =	shalt  }
.Lfunc_end2:
_tile_overlayer_lowered:
.L_overlay_start_2:
0xaa: {  	(tag) =	ssettag $0x2  }
0xab: {  	s0 =	rddreg [dreg:$0x0];
	s2 =	stileid.u32  }
0xac: {  	s1 =	rddreg [dreg:$0x1];
	p0 =	sne.s32 s2, $0x0  }
0xad: {  	s3 =	rddreg [dreg:$0x2];
	[bflag:$0x3] =	sbarrier.arrive $0xFFFF;
	s2 =	simm.s32 @!p0 $0x1C01  }
0xae: {  	[timem:s3], [sflag:s2] =	dma.local @!p0 [hbm:s0], s1  }
0xaf: {  	s0 =	simm.s32 @!p0 $0x1  }
0xb0: {  	_ =	swait.ge @!p0 [sflag:s0], s1  }
0xb1: {  	s1 =	ssub.s32 @!p0 $0x0, s1;
	[sflag:s0] =	ssyncset.done @!p0 $0x0  }
0xb2: {  	[sflag:s0] =	ssyncadd.s32 @!p0 s1  }
0xb3: {  	[bflag:$0x3] =	sbarrier.arrive $0xFFFF  }
0xb4: {  	_ =	shalt  }

// kernel: kernel.13.cloned.1.call-start
scs
__scs_entry_jumppad:
0x0: {  	(pc) =	sbr.rel $0x88, $3  }
0x1: {  	(tag) =	ssettag $0x0;
	lr =	simm.s32 $0x1  }
0x2: {  	[smem:$0x3F9F] =	sst lr;
	_ =	strace $0xD0000000  }
0x3: {  	_ = 	snop  }
0x4: {  	_ = 	snop  }
0x5: {  	_ = 	snop  }
0x6: {  	_ = 	snop  }
0x7: {  	_ = 	snop  }
__scs_overlays_trampoline_lowered:
0x8: {  	[smem:$0x3FAE] =	sst s0  }
0x9: {  	[smem:$0x3FAF] =	sst s1  }
0xa: {  	[smem:$0x3FB0] =	sst s2  }
0xb: {  	[smem:$0x3FB1] =	sst s3  }
0xc: {  	[smem:$0x3FB2] =	sst s4  }
0xd: {  	[smem:$0x3FB3] =	sst s5  }
0xe: {  	[smem:$0x3FB4] =	sst s6  }
0xf: {  	[smem:$0x3FB5] =	sst s7  }
0x10: {  	[smem:$0x3FB6] =	sst s8  }
0x11: {  	[smem:$0x3FB7] =	sst s9;
	s0 =	simm.s32 @!p0 $0x0  }
0x12: {  	s1 =	sld [smem:$0x3F9D];
	s0 =	simm.s32 @p0 $0x1  }
0x13: {  	[smem:$0x3FB8] =	sst s0;
	s0 =	simm.s32 @!p1 $0x0  }
0x14: {  	s2 =	sld [smem:$0x3F9C];
	s0 =	simm.s32 @p1 $0x1  }
0x15: {  	[smem:$0x3FB9] =	sst s0;
	s0 =	simm.s32 @!p2 $0x0  }
0x16: {  	s3 =	sld [smem:$0x3FDB];
	s0 =	simm.s32 @p2 $0x1  }
0x17: {  	s4 =	simm.s32 $0x1BF5;
	[smem:$0x3FBB] =	sst s0  }
0x18: {  	s0 =	sld [smem:$0x3F9E];
	_ =	swait.ge [sflag:s4], $0x0  }
0x19: {  	s7 =	sld [smem:$0x3F9F]  }
0x1a: {  	s8 =	sadd.s32 $0xFFFFE003, lr  }
0x1b: {  	s9 =	sadd.s32 $0xFFFFFEF7, lr;
	s5 =	simm.s32 $0xFFFFFFFF;
	p2 =	slt.u32 s8, $0xFFFFF086  }
0x1c: {  	p1 =	slt.u32 s9, $0xF7A;
	s5 =	simm.s32 @!p2 $0x0  }
0x1d: {  	s5 =	simm.s32 @p1 $0x1;
	p0 =	seq.s32 s7, s2  }
0x1e: {  	s7 =	smul.u32 @!p0 $0xF7A, s2;
	p2 =	seq.s32 @!p0 s5, $0x0  }
0x1f: {  	s9 =	smul.u32 $0xF7A, s1;
	s8 =	simm.s32 @!p0 $0x1BF5;
	p2 =	por !p2, p0  }
0x20: {  	[sflag:s8] =	ssyncset.s32 @!p0 $0xFFFFF086;
	s6 =	sadd.s32 @!p0 s3, s7;
	s7 =	simm.s32 @!p0 $0x108  }
0x21: {  	s3 =	sadd.s32 s3, s9;
	s6 =	sadd.s32 @!p0 $0x88, s6;
	s7 =	simm.s32 @p2 $0x1082  }
0x22: {  	[simem:s7], [sflag:s8] =	dma.local @!p0 [hbm:s6], $0xF7A  }
0x23: {  	s9 =	sor.u32 $0xD0000000, s2;
	s6 =	simm.s32 $0x108;
	_ =	swait.ge @!p0 [sflag:s8], $0x0  }
0x24: {  	s3 =	sadd.s32 $0x88, s3;
	s6 =	simm.s32 @!p1 $0x1082;
	[sflag:s4] =	ssyncset.s32 $0xFFFFF086  }
0x25: {  	[simem:s6], [sflag:s4] =	dma.local [hbm:s3], $0xF7A  }
0x26: {  	[smem:$0x3F9F] =	sst s1;
	(tag) =	ssettag s2;
	_ =	strace s9  }
0x27: {  	s1 =	sld [smem:$0x3FAF]  }
0x28: {  	s2 =	sld [smem:$0x3FB0]  }
0x29: {  	s4 =	sld [smem:$0x3FB2]  }
0x2a: {  	p0 =	seq.s32 s5, $0x0;
	s5 =	sld [smem:$0x3FB3]  }
0x2b: {  	s6 =	sld [smem:$0x3FB4]  }
0x2c: {  	s7 =	sld [smem:$0x3FB5]  }
0x2d: {  	s3 =	simm.s32 $0x108;
	s8 =	sld [smem:$0x3FB6]  }
0x2e: {  	s3 =	simm.s32 @!p0 $0x1082;
	s9 =	sld [smem:$0x3FB7]  }
0x2f: {  	lr =	sadd.s32 s0, s3;
	s0 =	sld [smem:$0x3FAE]  }
0x30: {  	s3 =	sld [smem:$0x3FB1]  }
0x31: {  	[smem:$0x3FBA] =	sst s10  }
0x32: {  	s10 =	sld [smem:$0x3FB8];
	_ =	sdelay $0x3  }
0x33: {  	p0 =	seq.s32 s10, $0x1;
	s10 =	sld [smem:$0x3FBA];
	_ =	sdelay $0x3  }
0x34: {  	[smem:$0x3FBA] =	sst s10  }
0x35: {  	s10 =	sld [smem:$0x3FB9];
	_ =	sdelay $0x3  }
0x36: {  	p1 =	seq.s32 s10, $0x1;
	s10 =	sld [smem:$0x3FBA];
	_ =	sdelay $0x3  }
0x37: {  	[smem:$0x3FBA] =	sst s10  }
0x38: {  	s10 =	sld [smem:$0x3FBB]  }
0x39: {  	_ = 	snop;
	(pc) =	sbr.ind lr, $3  }
0x3a: {  	_ = 	snop  }
0x3b: {  	_ = 	snop  }
0x3c: {  	p2 =	seq.s32 s10, $0x1;
	s10 =	sld [smem:$0x3FBA]  }
0x3d: {  	_ =	shalt  }
0x3e: {  	_ =	shalt  }
0x3f: {  	_ =	shalt  }
0x40: {  	_ =	shalt  }
0x41: {  	_ =	shalt  }
0x42: {  	_ =	shalt  }
0x43: {  	_ =	shalt  }
0x44: {  	_ =	shalt  }
0x45: {  	_ =	shalt  }
0x46: {  	_ =	shalt  }
0x47: {  	_ =	shalt  }
0x48: {  	_ =	shalt  }
0x49: {  	_ =	shalt  }
0x4a: {  	_ =	shalt  }
0x4b: {  	_ =	shalt  }
0x4c: {  	_ =	shalt  }
0x4d: {  	_ =	shalt  }
0x4e: {  	_ =	shalt  }
0x4f: {  	_ =	shalt  }
0x50: {  	_ =	shalt  }
0x51: {  	_ =	shalt  }
0x52: {  	_ =	shalt  }
0x53: {  	_ =	shalt  }
0x54: {  	_ =	shalt  }
0x55: {  	_ =	shalt  }
0x56: {  	_ =	shalt  }
0x57: {  	_ =	shalt  }
0x58: {  	_ =	shalt  }
0x59: {  	_ =	shalt  }
0x5a: {  	_ =	shalt  }
0x5b: {  	_ =	shalt  }
0x5c: {  	_ =	shalt  }
0x5d: {  	_ =	shalt  }
0x5e: {  	_ =	shalt  }
0x5f: {  	_ =	shalt  }
0x60: {  	_ =	shalt  }
0x61: {  	_ =	shalt  }
0x62: {  	_ =	shalt  }
0x63: {  	_ =	shalt  }
0x64: {  	_ =	shalt  }
0x65: {  	_ =	shalt  }
0x66: {  	_ =	shalt  }
0x67: {  	_ =	shalt  }
0x68: {  	_ =	shalt  }
0x69: {  	_ =	shalt  }
0x6a: {  	_ =	shalt  }
0x6b: {  	_ =	shalt  }
0x6c: {  	_ =	shalt  }
0x6d: {  	_ =	shalt  }
0x6e: {  	_ =	shalt  }
0x6f: {  	_ =	shalt  }
0x70: {  	_ =	shalt  }
0x71: {  	_ =	shalt  }
0x72: {  	_ =	shalt  }
0x73: {  	_ =	shalt  }
0x74: {  	_ =	shalt  }
0x75: {  	_ =	shalt  }
0x76: {  	_ =	shalt  }
0x77: {  	_ =	shalt  }
0x78: {  	_ =	shalt  }
0x79: {  	_ =	shalt  }
0x7a: {  	_ =	shalt  }
0x7b: {  	_ =	shalt  }
0x7c: {  	_ =	shalt  }
0x7d: {  	_ =	shalt  }
0x7e: {  	_ =	shalt  }
0x7f: {  	_ =	shalt  }
0x80: {  	_ =	shalt  }
0x81: {  	_ =	shalt  }
0x82: {  	_ =	shalt  }
0x83: {  	_ =	shalt  }
0x84: {  	_ =	shalt  }
0x85: {  	_ =	shalt  }
0x86: {  	_ =	shalt  }
0x87: {  	_ =	shalt  }
.Lfunc_end0:
.L_simem_size_0:
called_computation.1_lowered:
.L_overlay_start_0:
0x88: {  	s2 =	sld [smem:$0x3FD9]  }
0x89: {  	s3 =	sld [smem:$0x3FFE];
	_ =	sdelay $0x1  }
0x8a: {  	s1 =	srdreg.scid  }
0x8b: {  	s0 =	sand.u32 $0x1, s1  }
0x8c: {  	s17 =	sshll.u32 s0, $0xA;
	s2 =	sadd.s32 s3, s2  }
0x8d: {  	s2 =	sadd.s32 s2, s17  }
0x8e: {  	[smem:$0x3FC6] =	sst s2  }
0x8f: {  	_ = 	snop  }
0x90: {  	(tm) =	ssettm $0x1  }
0x91: {  	s18 =	sld [smem:$0x3FFB];
	_ =	sdelay $0x3  }
0x92: {  	_ =	strace s18  }
0x93: {  	s2 =	sld [smem:$0x3FFC];
	_ =	sdelay $0x3  }
0x94: {  	_ =	strace s2  }
0x95: {  	s2 =	sld [smem:$0x3FFD];
	_ =	sdelay $0x3  }
0x96: {  	_ =	strace s2  }
0x97: {  	_ =	strace $0x8FFFFFFF  }
0x98: {  	s19 =	sld [smem:$0x3FDB];
	_ =	sdelay $0x1  }
0x99: {  	s20 =	simm.s32 $_scs_section_size  }
0x9a: {  	s4 =	simm.s32 $_size__tile_overlayer_lowered;
	s5 =	simm.s32 $_tile_overlayer_lowered  }
0x9b: {  	s6 =	simm.s32 $0x1BFF;
	s21 =	sshll.u32 s5, $0x1;
	s3 =	sadd.s32 s20, s19  }
0x9c: {  	s22 =	simm.s32 $0x0;
	s4 =	sshll.u32 s4, $0x1;
	s5 =	sadd.s32 s21, s3  }
0x9d: {  	[timem:s22], [sflag:s6] =	dma.local [hbm:s5], s4  }
0x9e: {  	_ =	swait.ge [sflag:s6], s4  }
0x9f: {  	s4 =	ssub.s32 $0x0, s4;
	[sflag:s6] =	ssyncset.done $0x0  }
0xa0: {  	[sflag:s6] =	ssyncadd.s32 s4;
	_ =	sdelay $0x1  }
0xa1: {  	s23 =	simm.s32 $0x1B8B  }
0xa2: {  	_ =	swait.ge [sflag:s23], $0x1  }
0xa3: {  	[sflag:s23] =	ssyncset.done $0x0  }
0xa4: {  	[sflag:s23] =	ssyncadd.s32 $0xFFFFFFFF  }
0xa5: {  	s4 =	sld [smem:$0x0]  }
0xa6: {  	s5 =	sand.u32 $0xFFFFFFFE, s1  }
0xa7: {  	p0 =	sne.s32 s1, s5  }
0xa8: {  	s5 =	sshll.u32 @p0 s5, $0xE  }
0xa9: {  	s5 =	sadd.s32 @p0 $0x11B8D, s5;
	s6 =	sshll.u32 @p0 s4, $0x11  }
0xaa: {  	s5 =	sor.u32 @p0 s6, s5  }
0xab: {  	[sflag:s5] =	ssyncadd.remote.s32 @p0 $0x1;
	_ =	sdelay $0x1  }
0xac: {  	s5 =	simm.s32 @p0 $0x1B8D  }
0xad: {  	_ =	swait.eq @p0 [sflag:s5], $0x1  }
0xae: {  	[sflag:s5] =	ssyncadd.s32 @p0 $0xFFFFFFFF  }
0xaf: {  	s6 =	sshll.u32 @!p0 s1, $0xE  }
0xb0: {  	s6 =	sor.u32 @!p0 $0x4000, s6;
	s5 =	simm.s32 @!p0 $0x1B8D  }
0xb1: {  	s4 =	sshll.u32 @!p0 s4, $0x11;
	s6 =	sadd.s32 @!p0 $0x11B8D, s6;
	_ =	swait.eq @!p0 [sflag:s5], $0x1  }
0xb2: {  	s4 =	sor.u32 @!p0 s4, s6;
	[sflag:s5] =	ssyncadd.s32 @!p0 $0xFFFFFFFF  }
0xb3: {  	s25 =	simm.s32 $0x1B8E;
	s24 =	sld [smem:$0x3FFE];
	[sflag:s4] =	ssyncadd.remote.s32 @!p0 $0x1  }
0xb4: {  	s26 =	simm.s32 $execute0_lowered;
	[smem:$0x3FD2] =	sst s25  }
0xb5: {  	s5 =	sshll.u32 s26, $0x1;
	_ =	strace $0x80000049;
	[dreg:$0x1] =	wrdreg $0xFFFFFFFF  }
0xb6: {  	s28 =	simm.s32 $_size_execute0_lowered;
	s3 =	sadd.s32 s3, s5;
	[dreg:$0x0] =	wrdreg $0x0  }
0xb7: {  	s5 =	sshll.u32 s28, $0x1;
	[dreg:$0x2] =	wrdreg s3  }
0xb8: {  	[dreg:$0x3] =	wrdreg s5  }
0xb9: {  	[dreg:$0x4] =	wrdreg $0xC0  }
0xba: {  	_ =	task [dreg:s22], $0x5FFFF  }
0xbb: {  	[dreg:$0x1] =	wrdreg $0xFFFFFFFF  }
0xbc: {  	[dreg:$0x0] =	wrdreg $0x60  }
0xbd: {  	[dreg:$0x2] =	wrdreg s24  }
0xbe: {  	[dreg:$0x3] =	wrdreg $0xA  }
0xbf: {  	_ =	task.clear_ibuf [dreg:s22], $0x4FFFF;
	_ =	strace $0x90000049  }
0xc0: {  	s29 =	simm.s32 $0xA;
	_ =	strace $0x8000004B  }
0xc1: {  	_ =	swait.ge [sflag:s29], $0x1  }
0xc2: {  	[sflag:s29] =	ssyncadd.s32 $0xFFFFFFFF  }
0xc3: {  	_ =	strace $0x9000004B  }
0xc4: {  	_ =	sfence  }
0xc5: {  	s30 =	sld [smem:$0x0];
	_ =	sdelay $0x2  }
0xc6: {  	s31 =	sshll.u32 s1, $0xD;
	s1 =	sshrl.u32 s1, $0x2  }
0xc7: {  	s4 =	sand.u32 $0x4000, s31;
	s1 =	sadd.s32 s1, s30  }
0xc8: {  	s0 =	sor.u32 s4, s0;
	s1 =	sshll.u32 s1, $0x11  }
0xc9: {  	s0 =	sor.u32 s1, s0  }
0xca: {  	s0 =	sadd.s32 $0x8F2B, s0  }
0xcb: {  	[sflag:s0] =	ssyncadd.remote.s32 $0x1  }
0xcc: {  	_ =	sfence.sel $0xFFFF  }
0xcd: {  	[dreg:$0x0] =	wrdreg $0xFFFFFFFF;
	(pc) =	sbr.abs _section_cstart, $3  }
0xce: {  	[dreg:$0x1] =	wrdreg $0xFFFFFFFF  }
0xcf: {  	_ =	task.clear_ibuf [dreg:s22], $0x2FFFF;
	_ =	strace $0x9FFFFFFF  }
0xd0: {  	(tm) =	ssettm $0x7FFFFFFF  }
0xd1: {  	_ =	shalt  }
tec
execute0_lowered:
.L_overlay_start_1:
0x0: {  	(tag) =	ssettag $0x1  }
0x1: {  	s0 =	srdreg.scid  }
0x2: {  	s3 =	rddreg [dreg:$0x0];
	s1 =	stileid.u32;
	s2 =	simm.s32 $0x0  }
0x3: {  	s8 =	simm.s32 $0x1;
	s9 =	simm.s32 $0x2000;
	s10 =	simm.s32 $0x4000  }
0x4: {  	s11 =	simm.s32 $0x6000;
	s12 =	simm.s32 $0x0;
	s4 =	sand.u32 $0x1, s0  }
0x5: {  	v0 =	vlaneseq.u32;
	s0 =	rddreg [dreg:$0x1];
	s5 =	sshll.u32 s1, $0xB;
	s6 =	sshll.u32 s4, $0xA  }
0x6: {  	[smem:$0x7FF] =	sst s2;
	v4 =	vmul.u32 $0xFFFFFFFF, v0;
	s4 =	ssub.s32 $0x2, s4;
	s5 =	sor.u32 s6, s5  }
0x7: {  	_ =	strace $0x8000004A;
	s31 =	sshrl.u32 s4, $0x1;
	s6 =	sadd.s32 s5, s3  }
0x8: {  	vm0 =	vmmov $0xff;
	v1 =	vadd.s32 $0x3F, v4;
	s7 =	ssub.s32 s4, s31;
	s3 =	sadd.s32 $0x23200, s6;
	s4 =	sadd.s32 $0x3B200, s6  }
0x9: {  	v2 =	vadd.s32 $0x2F, v4;
	v3 =	vadd.s32 $0x1F, v4;
	v4 =	vadd.s32 $0xF, v4;
	s5 =	sadd.s32 $0x2B200, s6;
	s6 =	sadd.s32 $0x33200, s6;
	s7 =	smax.u32 s7, $0x1  }
.LBB2_1:
0xa: {  	[tilespmem:s2], [sflag:$0x1] =	stream.linear.gather [hbm4b:s3+s2], $0x2000, $0x38;
	[tilespmem:$0x8000] =	vst v63  }
0xb: {  	_ =	swait.ge [sflag:s8], $0x2000  }
0xc: {  	[sflag:s8] =	ssyncset.done $0x0  }
0xd: {  	s13 =	simm.s32 $0x20;
	[sflag:s8] =	ssyncadd.s32 $0xFFFFE000  }
0xe: {  	v5 =	vld [tilespmem:s13+$0x10]  }
0xf: {  	v6 =	vld [tilespmem:s13+$0xFFFFFFE0]  }
0x10: {  	v7 =	vld [tilespmem:s13+$0x0]  }
0x11: {  	v8 =	vld [tilespmem:s13+$0xFFFFFFF0];
	_ =	sdelay $0x4  }
0x12: {  	v9 =	vmax.f32 v7, v5;
	v10 =	vmax.f32 v6, v8  }
0x13: {  	v9 =	vmax.f32 v10, v9  }
0x14: {  	(xrf0) =	vmax.scan.msk.f32 $0xffff, v9;
	_ =	sdelay $0x5  }
0x15: {  	v9, _, _ =	vpop (xrf0)  }
0x16: {  	v9 =	vbroadcast v9, $0xF;
	_ =	sdelay $0x1  }
0x17: {  	v6 =	vsub.f32 v6, v9  }
0x18: {  	v8 =	vsub.f32 v8, v9  }
0x19: {  	v6 =	vmul.f32 $1.442695020e+00, v6  }
0x1a: {  	v7 =	vsub.f32 v7, v9;
	v8 =	vmul.f32 $1.442695020e+00, v8  }
0x1b: {  	(erf) = vpow2.f32 v6  }
0x1c: {  	v5 =	vsub.f32 v5, v9;
	v6 =	vmul.f32 $1.442695020e+00, v7;
	(erf) = vpow2.f32 v8;
	_ =	sdelay $0x1  }
0x1d: {  	v5 =	vmul.f32 $1.442695020e+00, v5;
	(erf) = vpow2.f32 v6;
	_ =	sdelay $0x1  }
0x1e: {  	(erf) = vpow2.f32 v5;
	_ =	sdelay $0x3  }
0x1f: {  	v5 =	vpop (erf)  }
0x20: {  	v6 =	vpop (erf)  }
0x21: {  	v7 =	vadd.f32 v6, v5  }
0x22: {  	v8 =	vpop (erf)  }
0x23: {  	v7 =	vadd.f32 v7, v8  }
0x24: {  	v58 =	vpop (erf)  }
0x25: {  	v7 =	vadd.f32 v7, v58;
	_ =	sdelay $0x1  }
0x26: {  	(xrf2) =	vadd.scan.msk.f32 $0xffff, v7;
	_ =	sdelay $0x9  }
0x27: {  	v7, _, _ =	vpop (xrf2)  }
0x28: {  	v7 =	vbroadcast v7, $0xF;
	_ =	sdelay $0x1  }
0x29: {  	(erf) = vrcp.f32 v7;
	_ =	sdelay $0x8  }
0x2a: {  	v7 =	vpop (erf)  }
0x2b: {  	v9 =	vmul.f32 v7, v58  }
0x2c: {  	v6 =	vmul.f32 v7, v6  }
0x2d: {  	v8 =	vmul.f32 v7, v8;
	v59 =	vshll.u32 v9, $0x2  }
0x2e: {  	v7 =	vmul.f32 v7, v5;
	v5 =	vshll.u32 v6, $0x2;
	v10 =	vadd.s32 $0x8, v59  }
0x2f: {  	v11 =	vshll.u32 v8, $0x2;
	v5 =	vadd.s32 $0x8, v5;
	v10 =	vand.u32 $0xFFFFFFC0, v10  }
0x30: {  	v11 =	vadd.s32 $0x8, v11;
	v5 =	vand.u32 $0xFFFFFFC0, v5;
	v10 =	vor.u32 v4, v10  }
0x31: {  	v11 =	vand.u32 $0xFFFFFFC0, v11;
	v5 =	vor.u32 v2, v5;
	(xrf1) =	vsort.dscd.msk.u32 $0xffff, v10, v10  }
0x32: {  	v11 =	vor.u32 v3, v11;
	(xrf1) =	vsort.dscd.msk.u32 $0xffff, v5, v5  }
0x33: {  	v60 =	vshll.u32 v7, $0x2;
	(xrf1) =	vsort.dscd.msk.u32 $0xffff, v11, v11  }
0x34: {  	v10 =	vadd.s32 $0x8, v60  }
0x35: {  	v5 =	vand.u32 $0xFFFFFFC0, v10  }
0x36: {  	v5 =	vor.u32 v1, v5  }
0x37: {  	(xrf1) =	vsort.dscd.msk.u32 $0xffff, v5, v5;
	_ =	sdelay $0x7  }
0x38: {  	v5, _, _ =	vpop (xrf1)  }
0x39: {  	v5 =	vperm.xlane v5, v4;
	v61, _, _ =	vpop (xrf1)  }
0x3a: {  	v11, _, _ =	vpop (xrf1)  }
0x3b: {  	v5 =	vmax.u32 v11, v5;
	_ =	sdelay $0x1  }
0x3c: {  	v10 =	vperm.xlane v61, v4  }
0x3d: {  	(xrf1) =	vsort.dscd.msk.u32 $0xffff, v5, v5;
	v5, _, _ =	vpop (xrf1)  }
0x3e: {  	v5 =	vmax.u32 v5, v10  }
0x3f: {  	(xrf1) =	vsort.dscd.msk.u32 $0xffff, v5, v5;
	_ =	sdelay $0xb  }
0x40: {  	v5, _, _ =	vpop (xrf1)  }
0x41: {  	v5 =	vperm.xlane v5, v4  }
0x42: {  	v62, _, _ =	vpop (xrf1)  }
0x43: {  	v5 =	vmax.u32 v62, v5  }
0x44: {  	(xrf1) =	vsort.dscd.msk.u32 $0xffff, v5, v5;
	_ =	sdelay $0xd  }
0x45: {  	v5, _, _ =	vpop (xrf1)  }
0x46: {  	s16 =	simm.s32 $0x0;
	v5 =	vandn.u32 $0x3F, v5  }
0x47: {  	s14 =	simm.s32 $0x2020;
	v63 =	vor.u32 s16, v5  }
0x48: {  	[tilespmem:s14+$0xFFFFFFF0] =	vst v6  }
0x49: {  	[tilespmem:s14+$0xFFFFFFE0] =	vst v7  }
0x4a: {  	[tilespmem:s14+$0x0] =	vst v8  }
0x4b: {  	[tilespmem:s14+$0x10] =	vst v9  }
0x4c: {  	v6 =	vld.idx.msk [tilespmem:v63+s9+$0x0], $0xffff;
	_ =	sdelay $0x4  }
0x4d: {  	v7 =	vnsel vm0, $0x0, v6  }
0x4e: {  	(xrf2) =	vadd.scan.msk.f32 $0xffff, v7;
	_ =	sdelay $0x9  }
0x4f: {  	v6, _, _ =	vpop (xrf2)  }
0x50: {  	v6 =	vbroadcast v6, $0xF;
	_ =	sdelay $0x1  }
0x51: {  	(erf) = vrcp.f32 v6;
	_ =	sdelay $0x6  }
0x52: {  	v6 =	vor.u32 s16, v0;
	_ =	sdelay $0x1  }
0x53: {  	v8 =	vpop (erf)  }
0x54: {  	s15 =	simm.s32 $0x1;
	v7 =	vmul.f32 v8, v7  }
.LBB2_2:
0x55: {  	_ = 	snop  }
0x56: {  	p0 =	sne.s32 s15, $0x3F;
	s13 =	sadd.s32 $0x80, s13;
	s14 =	sadd.s32 $0x80, s14;
	[tilespmem:v6+s10+$0x0] =	vst.idx.msk $0xff, v7  }
0x57: {  	s16 =	smov.u32 s15;
	s15 =	sadd.s32 $0x1, s15;
	[tilespmem:v6+s11+$0x0] =	vst.idx.msk $0xff, v5  }
0x58: {  	v5 =	vld [tilespmem:s13+$0x10]  }
0x59: {  	v6 =	vld [tilespmem:s13+$0xFFFFFFE0]  }
0x5a: {  	v7 =	vld [tilespmem:s13+$0x0]  }
0x5b: {  	v8 =	vld [tilespmem:s13+$0xFFFFFFF0];
	_ =	sdelay $0x3  }
0x5c: {  	v9 =	vmax.f32 v7, v5  }
0x5d: {  	v10 =	vmax.f32 v6, v8  }
0x5e: {  	v9 =	vmax.f32 v10, v9  }
0x5f: {  	(xrf0) =	vmax.scan.msk.f32 $0xffff, v9;
	_ =	sdelay $0x5  }
0x60: {  	v9, _, _ =	vpop (xrf0)  }
0x61: {  	v9 =	vbroadcast v9, $0xF;
	_ =	sdelay $0x1  }
0x62: {  	v6 =	vsub.f32 v6, v9;
	v7 =	vsub.f32 v7, v9  }
0x63: {  	v8 =	vsub.f32 v8, v9;
	v5 =	vsub.f32 v5, v9  }
0x64: {  	v6 =	vmul.f32 $1.442695020e+00, v6;
	v7 =	vmul.f32 $1.442695020e+00, v7  }
0x65: {  	v8 =	vmul.f32 $1.442695020e+00, v8;
	v5 =	vmul.f32 $1.442695020e+00, v5  }
0x66: {  	(erf) = vpow2.f32 v6  }
0x67: {  	(erf) = vpow2.f32 v8  }
0x68: {  	(erf) = vpow2.f32 v7;
	_ =	sdelay $0x1  }
0x69: {  	(erf) = vpow2.f32 v5;
	_ =	sdelay $0x4  }
0x6a: {  	v5 =	vpop (erf)  }
0x6b: {  	v6 =	vpop (erf)  }
0x6c: {  	v7 =	vadd.f32 v6, v5;
	v8 =	vpop (erf);
	_ =	sdelay $0x1  }
0x6d: {  	v7 =	vadd.f32 v7, v8;
	v9 =	vpop (erf);
	_ =	sdelay $0x1  }
0x6e: {  	v7 =	vadd.f32 v7, v9;
	_ =	sdelay $0x1  }
0x6f: {  	(xrf2) =	vadd.scan.msk.f32 $0xffff, v7;
	_ =	sdelay $0x9  }
0x70: {  	v7, _, _ =	vpop (xrf2)  }
0x71: {  	v7 =	vbroadcast v7, $0xF;
	_ =	sdelay $0x1  }
0x72: {  	(erf) = vrcp.f32 v7;
	_ =	sdelay $0x8  }
0x73: {  	v7 =	vpop (erf)  }
0x74: {  	v6 =	vmul.f32 v7, v6;
	v9 =	vmul.f32 v7, v9  }
0x75: {  	v5 =	vmul.f32 v7, v5;
	v7 =	vmul.f32 v7, v8  }
0x76: {  	[tilespmem:s14+$0xFFFFFFF0] =	vst v6;
	v6 =	vshll.u32 v6, $0x2;
	v8 =	vshll.u32 v9, $0x2  }
0x77: {  	v10 =	vshll.u32 v7, $0x2;
	[tilespmem:s14+$0xFFFFFFE0] =	vst v5;
	v6 =	vadd.s32 $0x8, v6;
	v8 =	vadd.s32 $0x8, v8  }
0x78: {  	v6 =	vand.u32 $0xFFFFFFC0, v6;
	[tilespmem:s14+$0x0] =	vst v7;
	v7 =	vadd.s32 $0x8, v10;
	v8 =	vand.u32 $0xFFFFFFC0, v8  }
0x79: {  	v5 =	vshll.u32 v5, $0x2;
	v7 =	vand.u32 $0xFFFFFFC0, v7;
	[tilespmem:s14+$0x10] =	vst v9;
	v8 =	vor.u32 v4, v8  }
0x7a: {  	v5 =	vadd.s32 $0x8, v5;
	v6 =	vor.u32 v2, v6;
	v7 =	vor.u32 v3, v7;
	(xrf1) =	vsort.dscd.msk.u32 $0xffff, v8, v8  }
0x7b: {  	v5 =	vand.u32 $0xFFFFFFC0, v5;
	(xrf1) =	vsort.dscd.msk.u32 $0xffff, v6, v6  }
0x7c: {  	v5 =	vor.u32 v1, v5;
	(xrf1) =	vsort.dscd.msk.u32 $0xffff, v7, v7  }
0x7d: {  	(xrf1) =	vsort.dscd.msk.u32 $0xffff, v5, v5;
	_ =	sdelay $0xa  }
0x7e: {  	v5, _, _ =	vpop (xrf1)  }
0x7f: {  	v5 =	vperm.xlane v5, v4;
	v6, _, _ =	vpop (xrf1)  }
0x80: {  	v6 =	vperm.xlane v6, v4;
	v7, _, _ =	vpop (xrf1)  }
0x81: {  	v5 =	vmax.u32 v7, v5;
	v7, _, _ =	vpop (xrf1)  }
0x82: {  	v6 =	vmax.u32 v7, v6;
	(xrf1) =	vsort.dscd.msk.u32 $0xffff, v5, v5;
	_ =	sdelay $0x1  }
0x83: {  	(xrf1) =	vsort.dscd.msk.u32 $0xffff, v6, v6;
	_ =	sdelay $0xb  }
0x84: {  	v5, _, _ =	vpop (xrf1)  }
0x85: {  	v5 =	vperm.xlane v5, v4  }
0x86: {  	v6, _, _ =	vpop (xrf1)  }
0x87: {  	v5 =	vmax.u32 v6, v5  }
0x88: {  	(xrf1) =	vsort.dscd.msk.u32 $0xffff, v5, v5;
	_ =	sdelay $0xd  }
0x89: {  	v5, _, _ =	vpop (xrf1)  }
0x8a: {  	s16 =	sshll.u32 s16, $0x7;
	v5 =	vandn.u32 $0x3F, v5  }
0x8b: {  	v6 =	vor.u32 s16, v5;
	_ =	sdelay $0x4  }
0x8c: {  	v6 =	vld.idx.msk [tilespmem:v6+s9+$0x0], $0xffff;
	_ =	sdelay $0x5  }
0x8d: {  	v7 =	vnsel vm0, $0x0, v6  }
0x8e: {  	(xrf2) =	vadd.scan.msk.f32 $0xffff, v7;
	_ =	sdelay $0x9  }
0x8f: {  	v6, _, _ =	vpop (xrf2)  }
0x90: {  	v6 =	vbroadcast v6, $0xF;
	_ =	sdelay $0x1  }
0x91: {  	(erf) = vrcp.f32 v6;
	_ =	sdelay $0x5  }
.Ltmp0:
0x92: {  	(pc) =	sbr.rel @p0 .LBB2_2-.Ltmp0, $3  }
0x93: {  	v6 =	vor.u32 s16, v0;
	_ =	sdelay $0x1  }
0x94: {  	v8 =	vpop (erf)  }
0x95: {  	v7 =	vmul.f32 v8, v7  }
0x96: {  	_ =	sdelay $0x3  }
0x97: {  	[tilespmem:v6+s10+$0x0] =	vst.idx.msk $0xff, v7  }
0x98: {  	[tilespmem:v6+s11+$0x0] =	vst.idx.msk $0xff, v5  }
0x99: {  	[hbm4b:s4+s2] =	stream.linear.scatter [tilespmem:s9], [sflag:$0x1], $0x2000, $0x38;
	[tilespmem:$0x8000] =	vst v63  }
0x9a: {  	_ =	swait.ge [sflag:s8], $0x2000  }
0x9b: {  	[sflag:s8] =	ssyncset.done $0x0  }
0x9c: {  	[sflag:s8] =	ssyncadd.s32 $0xFFFFE000  }
0x9d: {  	[hbm4b:s5+s2] =	stream.linear.scatter [tilespmem:s10], [sflag:$0x1], $0x2000, $0x38;
	[tilespmem:$0x8000] =	vst v63  }
0x9e: {  	s12 =	sadd.s32 $0x1, s12;
	_ =	swait.ge [sflag:s8], $0x2000  }
0x9f: {  	p0 =	sne.s32 s12, s7;
	[sflag:s8] =	ssyncset.done $0x0  }
.Ltmp1:
0xa0: {  	[sflag:s8] =	ssyncadd.s32 $0xFFFFE000;
	(pc) =	sbr.rel @p0 .LBB2_1-.Ltmp1, $4  }
0xa1: {  	[hbm4b:s6+s2] =	stream.linear.scatter [tilespmem:s11], [sflag:$0x1], $0x2000, $0x38;
	[tilespmem:$0x8000] =	vst v63  }
0xa2: {  	_ =	swait.ge [sflag:s8], $0x2000  }
0xa3: {  	[sflag:s8] =	ssyncset.done $0x0  }
0xa4: {  	[sflag:s8] =	ssyncadd.s32 $0xFFFFE000  }
0xa5: {  	_ =	sfence.sel $0x180000  }
0xa6: {  	[bflag:$0x0] =	sbarrier.arrive $0xFFFF  }
0xa7: {  	p0 =	sne.s32 s1, $0x0;
	_ =	strace $0x9000004A  }
0xa8: {  	s0 =	sadd.s32 @!p0 $0x100000, s0;
	[bflag:$0x2] =	sbarrier.arrive $0xFFFF  }
0xa9: {  	[sflag:s0] =	ssyncadd.tile.s32 @!p0 $0x1;
	_ =	shalt  }
.Lfunc_end2:
_tile_overlayer_lowered:
.L_overlay_start_2:
0xaa: {  	(tag) =	ssettag $0x2  }
0xab: {  	s0 =	rddreg [dreg:$0x0];
	s2 =	stileid.u32  }
0xac: {  	s1 =	rddreg [dreg:$0x1];
	p0 =	sne.s32 s2, $0x0  }
0xad: {  	s3 =	rddreg [dreg:$0x2];
	[bflag:$0x3] =	sbarrier.arrive $0xFFFF;
	s2 =	simm.s32 @!p0 $0x1C01  }
0xae: {  	[timem:s3], [sflag:s2] =	dma.local @!p0 [hbm:s0], s1  }
0xaf: {  	s0 =	simm.s32 @!p0 $0x1  }
0xb0: {  	_ =	swait.ge @!p0 [sflag:s0], s1  }
0xb1: {  	s1 =	ssub.s32 @!p0 $0x0, s1;
	[sflag:s0] =	ssyncset.done @!p0 $0x0  }
0xb2: {  	[sflag:s0] =	ssyncadd.s32 @!p0 s1  }
0xb3: {  	[bflag:$0x3] =	sbarrier.arrive $0xFFFF  }
0xb4: {  	_ =	shalt  }

// kernel: kernel.16.cloned.1.call-start
scs
__scs_entry_jumppad:
0x0: {  	(pc) =	sbr.rel $0x88, $3  }
0x1: {  	(tag) =	ssettag $0x0;
	lr =	simm.s32 $0x1  }
0x2: {  	[smem:$0x3F9F] =	sst lr;
	_ =	strace $0xD0000000  }
0x3: {  	_ = 	snop  }
0x4: {  	_ = 	snop  }
0x5: {  	_ = 	snop  }
0x6: {  	_ = 	snop  }
0x7: {  	_ = 	snop  }
__scs_overlays_trampoline_lowered:
0x8: {  	[smem:$0x3FAE] =	sst s0  }
0x9: {  	[smem:$0x3FAF] =	sst s1  }
0xa: {  	[smem:$0x3FB0] =	sst s2  }
0xb: {  	[smem:$0x3FB1] =	sst s3  }
0xc: {  	[smem:$0x3FB2] =	sst s4  }
0xd: {  	[smem:$0x3FB3] =	sst s5  }
0xe: {  	[smem:$0x3FB4] =	sst s6  }
0xf: {  	[smem:$0x3FB5] =	sst s7  }
0x10: {  	[smem:$0x3FB6] =	sst s8  }
0x11: {  	[smem:$0x3FB7] =	sst s9;
	s0 =	simm.s32 @!p0 $0x0  }
0x12: {  	s1 =	sld [smem:$0x3F9D];
	s0 =	simm.s32 @p0 $0x1  }
0x13: {  	[smem:$0x3FB8] =	sst s0;
	s0 =	simm.s32 @!p1 $0x0  }
0x14: {  	s2 =	sld [smem:$0x3F9C];
	s0 =	simm.s32 @p1 $0x1  }
0x15: {  	[smem:$0x3FB9] =	sst s0;
	s0 =	simm.s32 @!p2 $0x0  }
0x16: {  	s3 =	sld [smem:$0x3FDB];
	s0 =	simm.s32 @p2 $0x1  }
0x17: {  	s4 =	simm.s32 $0x1BF5;
	[smem:$0x3FBB] =	sst s0  }
0x18: {  	s0 =	sld [smem:$0x3F9E];
	_ =	swait.ge [sflag:s4], $0x0  }
0x19: {  	s7 =	sld [smem:$0x3F9F]  }
0x1a: {  	s8 =	sadd.s32 $0xFFFFE003, lr  }
0x1b: {  	s9 =	sadd.s32 $0xFFFFFEF7, lr;
	s5 =	simm.s32 $0xFFFFFFFF;
	p2 =	slt.u32 s8, $0xFFFFF086  }
0x1c: {  	p1 =	slt.u32 s9, $0xF7A;
	s5 =	simm.s32 @!p2 $0x0  }
0x1d: {  	s5 =	simm.s32 @p1 $0x1;
	p0 =	seq.s32 s7, s2  }
0x1e: {  	s7 =	smul.u32 @!p0 $0xF7A, s2;
	p2 =	seq.s32 @!p0 s5, $0x0  }
0x1f: {  	s9 =	smul.u32 $0xF7A, s1;
	s8 =	simm.s32 @!p0 $0x1BF5;
	p2 =	por !p2, p0  }
0x20: {  	[sflag:s8] =	ssyncset.s32 @!p0 $0xFFFFF086;
	s6 =	sadd.s32 @!p0 s3, s7;
	s7 =	simm.s32 @!p0 $0x108  }
0x21: {  	s3 =	sadd.s32 s3, s9;
	s6 =	sadd.s32 @!p0 $0x88, s6;
	s7 =	simm.s32 @p2 $0x1082  }
0x22: {  	[simem:s7], [sflag:s8] =	dma.local @!p0 [hbm:s6], $0xF7A  }
0x23: {  	s9 =	sor.u32 $0xD0000000, s2;
	s6 =	simm.s32 $0x108;
	_ =	swait.ge @!p0 [sflag:s8], $0x0  }
0x24: {  	s3 =	sadd.s32 $0x88, s3;
	s6 =	simm.s32 @!p1 $0x1082;
	[sflag:s4] =	ssyncset.s32 $0xFFFFF086  }
0x25: {  	[simem:s6], [sflag:s4] =	dma.local [hbm:s3], $0xF7A  }
0x26: {  	[smem:$0x3F9F] =	sst s1;
	(tag) =	ssettag s2;
	_ =	strace s9  }
0x27: {  	s1 =	sld [smem:$0x3FAF]  }
0x28: {  	s2 =	sld [smem:$0x3FB0]  }
0x29: {  	s4 =	sld [smem:$0x3FB2]  }
0x2a: {  	p0 =	seq.s32 s5, $0x0;
	s5 =	sld [smem:$0x3FB3]  }
0x2b: {  	s6 =	sld [smem:$0x3FB4]  }
0x2c: {  	s7 =	sld [smem:$0x3FB5]  }
0x2d: {  	s3 =	simm.s32 $0x108;
	s8 =	sld [smem:$0x3FB6]  }
0x2e: {  	s3 =	simm.s32 @!p0 $0x1082;
	s9 =	sld [smem:$0x3FB7]  }
0x2f: {  	lr =	sadd.s32 s0, s3;
	s0 =	sld [smem:$0x3FAE]  }
0x30: {  	s3 =	sld [smem:$0x3FB1]  }
0x31: {  	[smem:$0x3FBA] =	sst s10  }
0x32: {  	s10 =	sld [smem:$0x3FB8];
	_ =	sdelay $0x3  }
0x33: {  	p0 =	seq.s32 s10, $0x1;
	s10 =	sld [smem:$0x3FBA];
	_ =	sdelay $0x3  }
0x34: {  	[smem:$0x3FBA] =	sst s10  }
0x35: {  	s10 =	sld [smem:$0x3FB9];
	_ =	sdelay $0x3  }
0x36: {  	p1 =	seq.s32 s10, $0x1;
	s10 =	sld [smem:$0x3FBA];
	_ =	sdelay $0x3  }
0x37: {  	[smem:$0x3FBA] =	sst s10  }
0x38: {  	s10 =	sld [smem:$0x3FBB]  }
0x39: {  	_ = 	snop;
	(pc) =	sbr.ind lr, $3  }
0x3a: {  	_ = 	snop  }
0x3b: {  	_ = 	snop  }
0x3c: {  	p2 =	seq.s32 s10, $0x1;
	s10 =	sld [smem:$0x3FBA]  }
0x3d: {  	_ =	shalt  }
0x3e: {  	_ =	shalt  }
0x3f: {  	_ =	shalt  }
0x40: {  	_ =	shalt  }
0x41: {  	_ =	shalt  }
0x42: {  	_ =	shalt  }
0x43: {  	_ =	shalt  }
0x44: {  	_ =	shalt  }
0x45: {  	_ =	shalt  }
0x46: {  	_ =	shalt  }
0x47: {  	_ =	shalt  }
0x48: {  	_ =	shalt  }
0x49: {  	_ =	shalt  }
0x4a: {  	_ =	shalt  }
0x4b: {  	_ =	shalt  }
0x4c: {  	_ =	shalt  }
0x4d: {  	_ =	shalt  }
0x4e: {  	_ =	shalt  }
0x4f: {  	_ =	shalt  }
0x50: {  	_ =	shalt  }
0x51: {  	_ =	shalt  }
0x52: {  	_ =	shalt  }
0x53: {  	_ =	shalt  }
0x54: {  	_ =	shalt  }
0x55: {  	_ =	shalt  }
0x56: {  	_ =	shalt  }
0x57: {  	_ =	shalt  }
0x58: {  	_ =	shalt  }
0x59: {  	_ =	shalt  }
0x5a: {  	_ =	shalt  }
0x5b: {  	_ =	shalt  }
0x5c: {  	_ =	shalt  }
0x5d: {  	_ =	shalt  }
0x5e: {  	_ =	shalt  }
0x5f: {  	_ =	shalt  }
0x60: {  	_ =	shalt  }
0x61: {  	_ =	shalt  }
0x62: {  	_ =	shalt  }
0x63: {  	_ =	shalt  }
0x64: {  	_ =	shalt  }
0x65: {  	_ =	shalt  }
0x66: {  	_ =	shalt  }
0x67: {  	_ =	shalt  }
0x68: {  	_ =	shalt  }
0x69: {  	_ =	shalt  }
0x6a: {  	_ =	shalt  }
0x6b: {  	_ =	shalt  }
0x6c: {  	_ =	shalt  }
0x6d: {  	_ =	shalt  }
0x6e: {  	_ =	shalt  }
0x6f: {  	_ =	shalt  }
0x70: {  	_ =	shalt  }
0x71: {  	_ =	shalt  }
0x72: {  	_ =	shalt  }
0x73: {  	_ =	shalt  }
0x74: {  	_ =	shalt  }
0x75: {  	_ =	shalt  }
0x76: {  	_ =	shalt  }
0x77: {  	_ =	shalt  }
0x78: {  	_ =	shalt  }
0x79: {  	_ =	shalt  }
0x7a: {  	_ =	shalt  }
0x7b: {  	_ =	shalt  }
0x7c: {  	_ =	shalt  }
0x7d: {  	_ =	shalt  }
0x7e: {  	_ =	shalt  }
0x7f: {  	_ =	shalt  }
0x80: {  	_ =	shalt  }
0x81: {  	_ =	shalt  }
0x82: {  	_ =	shalt  }
0x83: {  	_ =	shalt  }
0x84: {  	_ =	shalt  }
0x85: {  	_ =	shalt  }
0x86: {  	_ =	shalt  }
0x87: {  	_ =	shalt  }
.Lfunc_end0:
.L_simem_size_0:
called_computation.2_lowered:
.L_overlay_start_0:
0x88: {  	s2 =	sld [smem:$0x3FD9]  }
0x89: {  	s3 =	sld [smem:$0x3FFE];
	_ =	sdelay $0x1  }
0x8a: {  	s1 =	srdreg.scid  }
0x8b: {  	s0 =	sand.u32 $0x1, s1  }
0x8c: {  	s17 =	sshll.u32 s0, $0xA;
	s2 =	sadd.s32 s3, s2  }
0x8d: {  	s2 =	sadd.s32 s2, s17  }
0x8e: {  	[smem:$0x3FC6] =	sst s2  }
0x8f: {  	_ = 	snop  }
0x90: {  	(tm) =	ssettm $0x1  }
0x91: {  	s18 =	sld [smem:$0x3FFB];
	_ =	sdelay $0x3  }
0x92: {  	_ =	strace s18  }
0x93: {  	s2 =	sld [smem:$0x3FFC];
	_ =	sdelay $0x3  }
0x94: {  	_ =	strace s2  }
0x95: {  	s2 =	sld [smem:$0x3FFD];
	_ =	sdelay $0x3  }
0x96: {  	_ =	strace s2  }
0x97: {  	_ =	strace $0x8FFFFFFF  }
0x98: {  	s19 =	sld [smem:$0x3FDB];
	_ =	sdelay $0x1  }
0x99: {  	s20 =	simm.s32 $_scs_section_size  }
0x9a: {  	s4 =	simm.s32 $_size__tile_overlayer_lowered;
	s5 =	simm.s32 $_tile_overlayer_lowered  }
0x9b: {  	s6 =	simm.s32 $0x1BFF;
	s21 =	sshll.u32 s5, $0x1;
	s3 =	sadd.s32 s20, s19  }
0x9c: {  	s22 =	simm.s32 $0x0;
	s4 =	sshll.u32 s4, $0x1;
	s5 =	sadd.s32 s21, s3  }
0x9d: {  	[timem:s22], [sflag:s6] =	dma.local [hbm:s5], s4  }
0x9e: {  	_ =	swait.ge [sflag:s6], s4  }
0x9f: {  	s4 =	ssub.s32 $0x0, s4;
	[sflag:s6] =	ssyncset.done $0x0  }
0xa0: {  	[sflag:s6] =	ssyncadd.s32 s4;
	_ =	sdelay $0x1  }
0xa1: {  	s23 =	simm.s32 $0x1B8B  }
0xa2: {  	_ =	swait.ge [sflag:s23], $0x1  }
0xa3: {  	[sflag:s23] =	ssyncset.done $0x0  }
0xa4: {  	[sflag:s23] =	ssyncadd.s32 $0xFFFFFFFF  }
0xa5: {  	s4 =	sld [smem:$0x0]  }
0xa6: {  	s5 =	sand.u32 $0xFFFFFFFE, s1  }
0xa7: {  	p0 =	sne.s32 s1, s5  }
0xa8: {  	s5 =	sshll.u32 @p0 s5, $0xE  }
0xa9: {  	s5 =	sadd.s32 @p0 $0x11B8D, s5;
	s6 =	sshll.u32 @p0 s4, $0x11  }
0xaa: {  	s5 =	sor.u32 @p0 s6, s5  }
0xab: {  	[sflag:s5] =	ssyncadd.remote.s32 @p0 $0x1;
	_ =	sdelay $0x1  }
0xac: {  	s5 =	simm.s32 @p0 $0x1B8D  }
0xad: {  	_ =	swait.eq @p0 [sflag:s5], $0x1  }
0xae: {  	[sflag:s5] =	ssyncadd.s32 @p0 $0xFFFFFFFF  }
0xaf: {  	s6 =	sshll.u32 @!p0 s1, $0xE  }
0xb0: {  	s6 =	sor.u32 @!p0 $0x4000, s6;
	s5 =	simm.s32 @!p0 $0x1B8D  }
0xb1: {  	s4 =	sshll.u32 @!p0 s4, $0x11;
	s6 =	sadd.s32 @!p0 $0x11B8D, s6;
	_ =	swait.eq @!p0 [sflag:s5], $0x1  }
0xb2: {  	s4 =	sor.u32 @!p0 s4, s6;
	[sflag:s5] =	ssyncadd.s32 @!p0 $0xFFFFFFFF  }
0xb3: {  	s25 =	simm.s32 $0x1B8E;
	s24 =	sld [smem:$0x3FFE];
	[sflag:s4] =	ssyncadd.remote.s32 @!p0 $0x1  }
0xb4: {  	s26 =	simm.s32 $execute0_lowered;
	[smem:$0x3FD2] =	sst s25  }
0xb5: {  	s5 =	sshll.u32 s26, $0x1;
	_ =	strace $0x8000004C;
	[dreg:$0x1] =	wrdreg $0xFFFFFFFF  }
0xb6: {  	s28 =	simm.s32 $_size_execute0_lowered;
	s3 =	sadd.s32 s3, s5;
	[dreg:$0x0] =	wrdreg $0x0  }
0xb7: {  	s5 =	sshll.u32 s28, $0x1;
	[dreg:$0x2] =	wrdreg s3  }
0xb8: {  	[dreg:$0x3] =	wrdreg s5  }
0xb9: {  	[dreg:$0x4] =	wrdreg $0xC0  }
0xba: {  	_ =	task [dreg:s22], $0x5FFFF  }
0xbb: {  	[dreg:$0x1] =	wrdreg $0xFFFFFFFF  }
0xbc: {  	[dreg:$0x0] =	wrdreg $0x60  }
0xbd: {  	[dreg:$0x2] =	wrdreg s24  }
0xbe: {  	[dreg:$0x3] =	wrdreg $0xB  }
0xbf: {  	_ =	task.clear_ibuf [dreg:s22], $0x4FFFF;
	_ =	strace $0x9000004C  }
0xc0: {  	s29 =	simm.s32 $0xB;
	_ =	strace $0x8000004E  }
0xc1: {  	_ =	swait.ge [sflag:s29], $0x1  }
0xc2: {  	[sflag:s29] =	ssyncadd.s32 $0xFFFFFFFF  }
0xc3: {  	_ =	strace $0x9000004E  }
0xc4: {  	_ =	sfence  }
0xc5: {  	s30 =	sld [smem:$0x0];
	_ =	sdelay $0x2  }
0xc6: {  	s31 =	sshll.u32 s1, $0xD;
	s1 =	sshrl.u32 s1, $0x2  }
0xc7: {  	s4 =	sand.u32 $0x4000, s31;
	s1 =	sadd.s32 s1, s30  }
0xc8: {  	s0 =	sor.u32 s4, s0;
	s1 =	sshll.u32 s1, $0x11  }
0xc9: {  	s0 =	sor.u32 s1, s0  }
0xca: {  	s0 =	sadd.s32 $0x8F2B, s0  }
0xcb: {  	[sflag:s0] =	ssyncadd.remote.s32 $0x1  }
0xcc: {  	_ =	sfence.sel $0xFFFF  }
0xcd: {  	[dreg:$0x0] =	wrdreg $0xFFFFFFFF;
	(pc) =	sbr.abs _section_cstart, $3  }
0xce: {  	[dreg:$0x1] =	wrdreg $0xFFFFFFFF  }
0xcf: {  	_ =	task.clear_ibuf [dreg:s22], $0x2FFFF;
	_ =	strace $0x9FFFFFFF  }
0xd0: {  	(tm) =	ssettm $0x7FFFFFFF  }
0xd1: {  	_ =	shalt  }
tec
execute0_lowered:
.L_overlay_start_1:
0x0: {  	(tag) =	ssettag $0x1  }
0x1: {  	s0 =	srdreg.scid  }
0x2: {  	s3 =	rddreg [dreg:$0x0];
	s1 =	stileid.u32;
	s2 =	simm.s32 $0x0  }
0x3: {  	s8 =	simm.s32 $0x1;
	s9 =	simm.s32 $0x2000;
	s10 =	simm.s32 $0x4000  }
0x4: {  	s11 =	simm.s32 $0x6000;
	s12 =	simm.s32 $0x0;
	s4 =	sand.u32 $0x1, s0  }
0x5: {  	v0 =	vlaneseq.u32;
	s0 =	rddreg [dreg:$0x1];
	s5 =	sshll.u32 s1, $0xB;
	s6 =	sshll.u32 s4, $0xA  }
0x6: {  	[smem:$0x7FF] =	sst s2;
	v4 =	vmul.u32 $0xFFFFFFFF, v0;
	s4 =	ssub.s32 $0x2, s4;
	s5 =	sor.u32 s6, s5  }
0x7: {  	_ =	strace $0x8000004D;
	s31 =	sshrl.u32 s4, $0x1;
	s6 =	sadd.s32 s5, s3  }
0x8: {  	vm0 =	vmmov $0xff;
	v1 =	vadd.s32 $0x3F, v4;
	s7 =	ssub.s32 s4, s31;
	s3 =	sadd.s32 $0x43200, s6;
	s4 =	sadd.s32 $0x5B200, s6  }
0x9: {  	v2 =	vadd.s32 $0x2F, v4;
	v3 =	vadd.s32 $0x1F, v4;
	v4 =	vadd.s32 $0xF, v4;
	s5 =	sadd.s32 $0x4B200, s6;
	s6 =	sadd.s32 $0x53200, s6;
	s7 =	smax.u32 s7, $0x1  }
.LBB2_1:
0xa: {  	[tilespmem:s2], [sflag:$0x1] =	stream.linear.gather [hbm4b:s3+s2], $0x2000, $0x38;
	[tilespmem:$0x8000] =	vst v63  }
0xb: {  	_ =	swait.ge [sflag:s8], $0x2000  }
0xc: {  	[sflag:s8] =	ssyncset.done $0x0  }
0xd: {  	s13 =	simm.s32 $0x20;
	[sflag:s8] =	ssyncadd.s32 $0xFFFFE000  }
0xe: {  	v5 =	vld [tilespmem:s13+$0x10]  }
0xf: {  	v6 =	vld [tilespmem:s13+$0xFFFFFFE0]  }
0x10: {  	v7 =	vld [tilespmem:s13+$0x0]  }
0x11: {  	v8 =	vld [tilespmem:s13+$0xFFFFFFF0];
	_ =	sdelay $0x4  }
0x12: {  	v9 =	vmax.f32 v7, v5;
	v10 =	vmax.f32 v6, v8  }
0x13: {  	v9 =	vmax.f32 v10, v9  }
0x14: {  	(xrf0) =	vmax.scan.msk.f32 $0xffff, v9;
	_ =	sdelay $0x5  }
0x15: {  	v9, _, _ =	vpop (xrf0)  }
0x16: {  	v9 =	vbroadcast v9, $0xF;
	_ =	sdelay $0x1  }
0x17: {  	v6 =	vsub.f32 v6, v9  }
0x18: {  	v8 =	vsub.f32 v8, v9  }
0x19: {  	v6 =	vmul.f32 $1.442695020e+00, v6  }
0x1a: {  	v7 =	vsub.f32 v7, v9;
	v8 =	vmul.f32 $1.442695020e+00, v8  }
0x1b: {  	(erf) = vpow2.f32 v6  }
0x1c: {  	v5 =	vsub.f32 v5, v9;
	v6 =	vmul.f32 $1.442695020e+00, v7;
	(erf) = vpow2.f32 v8;
	_ =	sdelay $0x1  }
0x1d: {  	v5 =	vmul.f32 $1.442695020e+00, v5;
	(erf) = vpow2.f32 v6;
	_ =	sdelay $0x1  }
0x1e: {  	(erf) = vpow2.f32 v5;
	_ =	sdelay $0x3  }
0x1f: {  	v5 =	vpop (erf)  }
0x20: {  	v6 =	vpop (erf)  }
0x21: {  	v7 =	vadd.f32 v6, v5  }
0x22: {  	v8 =	vpop (erf)  }
0x23: {  	v7 =	vadd.f32 v7, v8  }
0x24: {  	v58 =	vpop (erf)  }
0x25: {  	v7 =	vadd.f32 v7, v58;
	_ =	sdelay $0x1  }
0x26: {  	(xrf2) =	vadd.scan.msk.f32 $0xffff, v7;
	_ =	sdelay $0x9  }
0x27: {  	v7, _, _ =	vpop (xrf2)  }
0x28: {  	v7 =	vbroadcast v7, $0xF;
	_ =	sdelay $0x1  }
0x29: {  	(erf) = vrcp.f32 v7;
	_ =	sdelay $0x8  }
0x2a: {  	v7 =	vpop (erf)  }
0x2b: {  	v9 =	vmul.f32 v7, v58  }
0x2c: {  	v6 =	vmul.f32 v7, v6  }
0x2d: {  	v8 =	vmul.f32 v7, v8;
	v59 =	vshll.u32 v9, $0x2  }
0x2e: {  	v7 =	vmul.f32 v7, v5;
	v5 =	vshll.u32 v6, $0x2;
	v10 =	vadd.s32 $0x8, v59  }
0x2f: {  	v11 =	vshll.u32 v8, $0x2;
	v5 =	vadd.s32 $0x8, v5;
	v10 =	vand.u32 $0xFFFFFFC0, v10  }
0x30: {  	v11 =	vadd.s32 $0x8, v11;
	v5 =	vand.u32 $0xFFFFFFC0, v5;
	v10 =	vor.u32 v4, v10  }
0x31: {  	v11 =	vand.u32 $0xFFFFFFC0, v11;
	v5 =	vor.u32 v2, v5;
	(xrf1) =	vsort.dscd.msk.u32 $0xffff, v10, v10  }
0x32: {  	v11 =	vor.u32 v3, v11;
	(xrf1) =	vsort.dscd.msk.u32 $0xffff, v5, v5  }
0x33: {  	v60 =	vshll.u32 v7, $0x2;
	(xrf1) =	vsort.dscd.msk.u32 $0xffff, v11, v11  }
0x34: {  	v10 =	vadd.s32 $0x8, v60  }
0x35: {  	v5 =	vand.u32 $0xFFFFFFC0, v10  }
0x36: {  	v5 =	vor.u32 v1, v5  }
0x37: {  	(xrf1) =	vsort.dscd.msk.u32 $0xffff, v5, v5;
	_ =	sdelay $0x7  }
0x38: {  	v5, _, _ =	vpop (xrf1)  }
0x39: {  	v5 =	vperm.xlane v5, v4;
	v61, _, _ =	vpop (xrf1)  }
0x3a: {  	v11, _, _ =	vpop (xrf1)  }
0x3b: {  	v5 =	vmax.u32 v11, v5;
	_ =	sdelay $0x1  }
0x3c: {  	v10 =	vperm.xlane v61, v4  }
0x3d: {  	(xrf1) =	vsort.dscd.msk.u32 $0xffff, v5, v5;
	v5, _, _ =	vpop (xrf1)  }
0x3e: {  	v5 =	vmax.u32 v5, v10  }
0x3f: {  	(xrf1) =	vsort.dscd.msk.u32 $0xffff, v5, v5;
	_ =	sdelay $0xb  }
0x40: {  	v5, _, _ =	vpop (xrf1)  }
0x41: {  	v5 =	vperm.xlane v5, v4  }
0x42: {  	v62, _, _ =	vpop (xrf1)  }
0x43: {  	v5 =	vmax.u32 v62, v5  }
0x44: {  	(xrf1) =	vsort.dscd.msk.u32 $0xffff, v5, v5;
	_ =	sdelay $0xd  }
0x45: {  	v5, _, _ =	vpop (xrf1)  }
0x46: {  	s16 =	simm.s32 $0x0;
	v5 =	vandn.u32 $0x3F, v5  }
0x47: {  	s14 =	simm.s32 $0x2020;
	v63 =	vor.u32 s16, v5  }
0x48: {  	[tilespmem:s14+$0xFFFFFFF0] =	vst v6  }
0x49: {  	[tilespmem:s14+$0xFFFFFFE0] =	vst v7  }
0x4a: {  	[tilespmem:s14+$0x0] =	vst v8  }
0x4b: {  	[tilespmem:s14+$0x10] =	vst v9  }
0x4c: {  	v6 =	vld.idx.msk [tilespmem:v63+s9+$0x0], $0xffff;
	_ =	sdelay $0x4  }
0x4d: {  	v7 =	vnsel vm0, $0x0, v6  }
0x4e: {  	(xrf2) =	vadd.scan.msk.f32 $0xffff, v7;
	_ =	sdelay $0x9  }
0x4f: {  	v6, _, _ =	vpop (xrf2)  }
0x50: {  	v6 =	vbroadcast v6, $0xF;
	_ =	sdelay $0x1  }
0x51: {  	(erf) = vrcp.f32 v6;
	_ =	sdelay $0x6  }
0x52: {  	v6 =	vor.u32 s16, v0;
	_ =	sdelay $0x1  }
0x53: {  	v8 =	vpop (erf)  }
0x54: {  	s15 =	simm.s32 $0x1;
	v7 =	vmul.f32 v8, v7  }
.LBB2_2:
0x55: {  	_ = 	snop  }
0x56: {  	p0 =	sne.s32 s15, $0x3F;
	s13 =	sadd.s32 $0x80, s13;
	s14 =	sadd.s32 $0x80, s14;
	[tilespmem:v6+s10+$0x0] =	vst.idx.msk $0xff, v7  }
0x57: {  	s16 =	smov.u32 s15;
	s15 =	sadd.s32 $0x1, s15;
	[tilespmem:v6+s11+$0x0] =	vst.idx.msk $0xff, v5  }
0x58: {  	v5 =	vld [tilespmem:s13+$0x10]  }
0x59: {  	v6 =	vld [tilespmem:s13+$0xFFFFFFE0]  }
0x5a: {  	v7 =	vld [tilespmem:s13+$0x0]  }
0x5b: {  	v8 =	vld [tilespmem:s13+$0xFFFFFFF0];
	_ =	sdelay $0x3  }
0x5c: {  	v9 =	vmax.f32 v7, v5  }
0x5d: {  	v10 =	vmax.f32 v6, v8  }
0x5e: {  	v9 =	vmax.f32 v10, v9  }
0x5f: {  	(xrf0) =	vmax.scan.msk.f32 $0xffff, v9;
	_ =	sdelay $0x5  }
0x60: {  	v9, _, _ =	vpop (xrf0)  }
0x61: {  	v9 =	vbroadcast v9, $0xF;
	_ =	sdelay $0x1  }
0x62: {  	v6 =	vsub.f32 v6, v9;
	v7 =	vsub.f32 v7, v9  }
0x63: {  	v8 =	vsub.f32 v8, v9;
	v5 =	vsub.f32 v5, v9  }
0x64: {  	v6 =	vmul.f32 $1.442695020e+00, v6;
	v7 =	vmul.f32 $1.442695020e+00, v7  }
0x65: {  	v8 =	vmul.f32 $1.442695020e+00, v8;
	v5 =	vmul.f32 $1.442695020e+00, v5  }
0x66: {  	(erf) = vpow2.f32 v6  }
0x67: {  	(erf) = vpow2.f32 v8  }
0x68: {  	(erf) = vpow2.f32 v7;
	_ =	sdelay $0x1  }
0x69: {  	(erf) = vpow2.f32 v5;
	_ =	sdelay $0x4  }
0x6a: {  	v5 =	vpop (erf)  }
0x6b: {  	v6 =	vpop (erf)  }
0x6c: {  	v7 =	vadd.f32 v6, v5;
	v8 =	vpop (erf);
	_ =	sdelay $0x1  }
0x6d: {  	v7 =	vadd.f32 v7, v8;
	v9 =	vpop (erf);
	_ =	sdelay $0x1  }
0x6e: {  	v7 =	vadd.f32 v7, v9;
	_ =	sdelay $0x1  }
0x6f: {  	(xrf2) =	vadd.scan.msk.f32 $0xffff, v7;
	_ =	sdelay $0x9  }
0x70: {  	v7, _, _ =	vpop (xrf2)  }
0x71: {  	v7 =	vbroadcast v7, $0xF;
	_ =	sdelay $0x1  }
0x72: {  	(erf) = vrcp.f32 v7;
	_ =	sdelay $0x8  }
0x73: {  	v7 =	vpop (erf)  }
0x74: {  	v6 =	vmul.f32 v7, v6;
	v9 =	vmul.f32 v7, v9  }
0x75: {  	v5 =	vmul.f32 v7, v5;
	v7 =	vmul.f32 v7, v8  }
0x76: {  	[tilespmem:s14+$0xFFFFFFF0] =	vst v6;
	v6 =	vshll.u32 v6, $0x2;
	v8 =	vshll.u32 v9, $0x2  }
0x77: {  	v10 =	vshll.u32 v7, $0x2;
	[tilespmem:s14+$0xFFFFFFE0] =	vst v5;
	v6 =	vadd.s32 $0x8, v6;
	v8 =	vadd.s32 $0x8, v8  }
0x78: {  	v6 =	vand.u32 $0xFFFFFFC0, v6;
	[tilespmem:s14+$0x0] =	vst v7;
	v7 =	vadd.s32 $0x8, v10;
	v8 =	vand.u32 $0xFFFFFFC0, v8  }
0x79: {  	v5 =	vshll.u32 v5, $0x2;
	v7 =	vand.u32 $0xFFFFFFC0, v7;
	[tilespmem:s14+$0x10] =	vst v9;
	v8 =	vor.u32 v4, v8  }
0x7a: {  	v5 =	vadd.s32 $0x8, v5;
	v6 =	vor.u32 v2, v6;
	v7 =	vor.u32 v3, v7;
	(xrf1) =	vsort.dscd.msk.u32 $0xffff, v8, v8  }
0x7b: {  	v5 =	vand.u32 $0xFFFFFFC0, v5;
	(xrf1) =	vsort.dscd.msk.u32 $0xffff, v6, v6  }
0x7c: {  	v5 =	vor.u32 v1, v5;
	(xrf1) =	vsort.dscd.msk.u32 $0xffff, v7, v7  }
0x7d: {  	(xrf1) =	vsort.dscd.msk.u32 $0xffff, v5, v5;
	_ =	sdelay $0xa  }
0x7e: {  	v5, _, _ =	vpop (xrf1)  }
0x7f: {  	v5 =	vperm.xlane v5, v4;
	v6, _, _ =	vpop (xrf1)  }
0x80: {  	v6 =	vperm.xlane v6, v4;
	v7, _, _ =	vpop (xrf1)  }
0x81: {  	v5 =	vmax.u32 v7, v5;
	v7, _, _ =	vpop (xrf1)  }
0x82: {  	v6 =	vmax.u32 v7, v6;
	(xrf1) =	vsort.dscd.msk.u32 $0xffff, v5, v5;
	_ =	sdelay $0x1  }
0x83: {  	(xrf1) =	vsort.dscd.msk.u32 $0xffff, v6, v6;
	_ =	sdelay $0xb  }
0x84: {  	v5, _, _ =	vpop (xrf1)  }
0x85: {  	v5 =	vperm.xlane v5, v4  }
0x86: {  	v6, _, _ =	vpop (xrf1)  }
0x87: {  	v5 =	vmax.u32 v6, v5  }
0x88: {  	(xrf1) =	vsort.dscd.msk.u32 $0xffff, v5, v5;
	_ =	sdelay $0xd  }
0x89: {  	v5, _, _ =	vpop (xrf1)  }
0x8a: {  	s16 =	sshll.u32 s16, $0x7;
	v5 =	vandn.u32 $0x3F, v5  }
0x8b: {  	v6 =	vor.u32 s16, v5;
	_ =	sdelay $0x4  }
0x8c: {  	v6 =	vld.idx.msk [tilespmem:v6+s9+$0x0], $0xffff;
	_ =	sdelay $0x5  }
0x8d: {  	v7 =	vnsel vm0, $0x0, v6  }
0x8e: {  	(xrf2) =	vadd.scan.msk.f32 $0xffff, v7;
	_ =	sdelay $0x9  }
0x8f: {  	v6, _, _ =	vpop (xrf2)  }
0x90: {  	v6 =	vbroadcast v6, $0xF;
	_ =	sdelay $0x1  }
0x91: {  	(erf) = vrcp.f32 v6;
	_ =	sdelay $0x5  }
.Ltmp0:
0x92: {  	(pc) =	sbr.rel @p0 .LBB2_2-.Ltmp0, $3  }
0x93: {  	v6 =	vor.u32 s16, v0;
	_ =	sdelay $0x1  }
0x94: {  	v8 =	vpop (erf)  }
0x95: {  	v7 =	vmul.f32 v8, v7  }
0x96: {  	_ =	sdelay $0x3  }
0x97: {  	[tilespmem:v6+s10+$0x0] =	vst.idx.msk $0xff, v7  }
0x98: {  	[tilespmem:v6+s11+$0x0] =	vst.idx.msk $0xff, v5  }
0x99: {  	[hbm4b:s4+s2] =	stream.linear.scatter [tilespmem:s9], [sflag:$0x1], $0x2000, $0x38;
	[tilespmem:$0x8000] =	vst v63  }
0x9a: {  	_ =	swait.ge [sflag:s8], $0x2000  }
0x9b: {  	[sflag:s8] =	ssyncset.done $0x0  }
0x9c: {  	[sflag:s8] =	ssyncadd.s32 $0xFFFFE000  }
0x9d: {  	[hbm4b:s5+s2] =	stream.linear.scatter [tilespmem:s10], [sflag:$0x1], $0x2000, $0x38;
	[tilespmem:$0x8000] =	vst v63  }
0x9e: {  	s12 =	sadd.s32 $0x1, s12;
	_ =	swait.ge [sflag:s8], $0x2000  }
0x9f: {  	p0 =	sne.s32 s12, s7;
	[sflag:s8] =	ssyncset.done $0x0  }
.Ltmp1:
0xa0: {  	[sflag:s8] =	ssyncadd.s32 $0xFFFFE000;
	(pc) =	sbr.rel @p0 .LBB2_1-.Ltmp1, $4  }
0xa1: {  	[hbm4b:s6+s2] =	stream.linear.scatter [tilespmem:s11], [sflag:$0x1], $0x2000, $0x38;
	[tilespmem:$0x8000] =	vst v63  }
0xa2: {  	_ =	swait.ge [sflag:s8], $0x2000  }
0xa3: {  	[sflag:s8] =	ssyncset.done $0x0  }
0xa4: {  	[sflag:s8] =	ssyncadd.s32 $0xFFFFE000  }
0xa5: {  	_ =	sfence.sel $0x180000  }
0xa6: {  	[bflag:$0x0] =	sbarrier.arrive $0xFFFF  }
0xa7: {  	p0 =	sne.s32 s1, $0x0;
	_ =	strace $0x9000004D  }
0xa8: {  	s0 =	sadd.s32 @!p0 $0x100000, s0;
	[bflag:$0x2] =	sbarrier.arrive $0xFFFF  }
0xa9: {  	[sflag:s0] =	ssyncadd.tile.s32 @!p0 $0x1;
	_ =	shalt  }
.Lfunc_end2:
_tile_overlayer_lowered:
.L_overlay_start_2:
0xaa: {  	(tag) =	ssettag $0x2  }
0xab: {  	s0 =	rddreg [dreg:$0x0];
	s2 =	stileid.u32  }
0xac: {  	s1 =	rddreg [dreg:$0x1];
	p0 =	sne.s32 s2, $0x0  }
0xad: {  	s3 =	rddreg [dreg:$0x2];
	[bflag:$0x3] =	sbarrier.arrive $0xFFFF;
	s2 =	simm.s32 @!p0 $0x1C01  }
0xae: {  	[timem:s3], [sflag:s2] =	dma.local @!p0 [hbm:s0], s1  }
0xaf: {  	s0 =	simm.s32 @!p0 $0x1  }
0xb0: {  	_ =	swait.ge @!p0 [sflag:s0], s1  }
0xb1: {  	s1 =	ssub.s32 @!p0 $0x0, s1;
	[sflag:s0] =	ssyncset.done @!p0 $0x0  }
0xb2: {  	[sflag:s0] =	ssyncadd.s32 @!p0 s1  }
0xb3: {  	[bflag:$0x3] =	sbarrier.arrive $0xFFFF  }
0xb4: {  	_ =	shalt  }

// kernel: kernel.19.cloned.1.call-start
scs
__scs_entry_jumppad:
0x0: {  	(pc) =	sbr.rel $0x88, $3  }
0x1: {  	(tag) =	ssettag $0x0;
	lr =	simm.s32 $0x1  }
0x2: {  	[smem:$0x3F9F] =	sst lr;
	_ =	strace $0xD0000000  }
0x3: {  	_ = 	snop  }
0x4: {  	_ = 	snop  }
0x5: {  	_ = 	snop  }
0x6: {  	_ = 	snop  }
0x7: {  	_ = 	snop  }
__scs_overlays_trampoline_lowered:
0x8: {  	[smem:$0x3FAE] =	sst s0  }
0x9: {  	[smem:$0x3FAF] =	sst s1  }
0xa: {  	[smem:$0x3FB0] =	sst s2  }
0xb: {  	[smem:$0x3FB1] =	sst s3  }
0xc: {  	[smem:$0x3FB2] =	sst s4  }
0xd: {  	[smem:$0x3FB3] =	sst s5  }
0xe: {  	[smem:$0x3FB4] =	sst s6  }
0xf: {  	[smem:$0x3FB5] =	sst s7  }
0x10: {  	[smem:$0x3FB6] =	sst s8  }
0x11: {  	[smem:$0x3FB7] =	sst s9;
	s0 =	simm.s32 @!p0 $0x0  }
0x12: {  	s1 =	sld [smem:$0x3F9D];
	s0 =	simm.s32 @p0 $0x1  }
0x13: {  	[smem:$0x3FB8] =	sst s0;
	s0 =	simm.s32 @!p1 $0x0  }
0x14: {  	s2 =	sld [smem:$0x3F9C];
	s0 =	simm.s32 @p1 $0x1  }
0x15: {  	[smem:$0x3FB9] =	sst s0;
	s0 =	simm.s32 @!p2 $0x0  }
0x16: {  	s3 =	sld [smem:$0x3FDB];
	s0 =	simm.s32 @p2 $0x1  }
0x17: {  	s4 =	simm.s32 $0x1BF5;
	[smem:$0x3FBB] =	sst s0  }
0x18: {  	s0 =	sld [smem:$0x3F9E];
	_ =	swait.ge [sflag:s4], $0x0  }
0x19: {  	s7 =	sld [smem:$0x3F9F]  }
0x1a: {  	s8 =	sadd.s32 $0xFFFFE003, lr  }
0x1b: {  	s9 =	sadd.s32 $0xFFFFFEF7, lr;
	s5 =	simm.s32 $0xFFFFFFFF;
	p2 =	slt.u32 s8, $0xFFFFF086  }
0x1c: {  	p1 =	slt.u32 s9, $0xF7A;
	s5 =	simm.s32 @!p2 $0x0  }
0x1d: {  	s5 =	simm.s32 @p1 $0x1;
	p0 =	seq.s32 s7, s2  }
0x1e: {  	s7 =	smul.u32 @!p0 $0xF7A, s2;
	p2 =	seq.s32 @!p0 s5, $0x0  }
0x1f: {  	s9 =	smul.u32 $0xF7A, s1;
	s8 =	simm.s32 @!p0 $0x1BF5;
	p2 =	por !p2, p0  }
0x20: {  	[sflag:s8] =	ssyncset.s32 @!p0 $0xFFFFF086;
	s6 =	sadd.s32 @!p0 s3, s7;
	s7 =	simm.s32 @!p0 $0x108  }
0x21: {  	s3 =	sadd.s32 s3, s9;
	s6 =	sadd.s32 @!p0 $0x88, s6;
	s7 =	simm.s32 @p2 $0x1082  }
0x22: {  	[simem:s7], [sflag:s8] =	dma.local @!p0 [hbm:s6], $0xF7A  }
0x23: {  	s9 =	sor.u32 $0xD0000000, s2;
	s6 =	simm.s32 $0x108;
	_ =	swait.ge @!p0 [sflag:s8], $0x0  }
0x24: {  	s3 =	sadd.s32 $0x88, s3;
	s6 =	simm.s32 @!p1 $0x1082;
	[sflag:s4] =	ssyncset.s32 $0xFFFFF086  }
0x25: {  	[simem:s6], [sflag:s4] =	dma.local [hbm:s3], $0xF7A  }
0x26: {  	[smem:$0x3F9F] =	sst s1;
	(tag) =	ssettag s2;
	_ =	strace s9  }
0x27: {  	s1 =	sld [smem:$0x3FAF]  }
0x28: {  	s2 =	sld [smem:$0x3FB0]  }
0x29: {  	s4 =	sld [smem:$0x3FB2]  }
0x2a: {  	p0 =	seq.s32 s5, $0x0;
	s5 =	sld [smem:$0x3FB3]  }
0x2b: {  	s6 =	sld [smem:$0x3FB4]  }
0x2c: {  	s7 =	sld [smem:$0x3FB5]  }
0x2d: {  	s3 =	simm.s32 $0x108;
	s8 =	sld [smem:$0x3FB6]  }
0x2e: {  	s3 =	simm.s32 @!p0 $0x1082;
	s9 =	sld [smem:$0x3FB7]  }
0x2f: {  	lr =	sadd.s32 s0, s3;
	s0 =	sld [smem:$0x3FAE]  }
0x30: {  	s3 =	sld [smem:$0x3FB1]  }
0x31: {  	[smem:$0x3FBA] =	sst s10  }
0x32: {  	s10 =	sld [smem:$0x3FB8];
	_ =	sdelay $0x3  }
0x33: {  	p0 =	seq.s32 s10, $0x1;
	s10 =	sld [smem:$0x3FBA];
	_ =	sdelay $0x3  }
0x34: {  	[smem:$0x3FBA] =	sst s10  }
0x35: {  	s10 =	sld [smem:$0x3FB9];
	_ =	sdelay $0x3  }
0x36: {  	p1 =	seq.s32 s10, $0x1;
	s10 =	sld [smem:$0x3FBA];
	_ =	sdelay $0x3  }
0x37: {  	[smem:$0x3FBA] =	sst s10  }
0x38: {  	s10 =	sld [smem:$0x3FBB]  }
0x39: {  	_ = 	snop;
	(pc) =	sbr.ind lr, $3  }
0x3a: {  	_ = 	snop  }
0x3b: {  	_ = 	snop  }
0x3c: {  	p2 =	seq.s32 s10, $0x1;
	s10 =	sld [smem:$0x3FBA]  }
0x3d: {  	_ =	shalt  }
0x3e: {  	_ =	shalt  }
0x3f: {  	_ =	shalt  }
0x40: {  	_ =	shalt  }
0x41: {  	_ =	shalt  }
0x42: {  	_ =	shalt  }
0x43: {  	_ =	shalt  }
0x44: {  	_ =	shalt  }
0x45: {  	_ =	shalt  }
0x46: {  	_ =	shalt  }
0x47: {  	_ =	shalt  }
0x48: {  	_ =	shalt  }
0x49: {  	_ =	shalt  }
0x4a: {  	_ =	shalt  }
0x4b: {  	_ =	shalt  }
0x4c: {  	_ =	shalt  }
0x4d: {  	_ =	shalt  }
0x4e: {  	_ =	shalt  }
0x4f: {  	_ =	shalt  }
0x50: {  	_ =	shalt  }
0x51: {  	_ =	shalt  }
0x52: {  	_ =	shalt  }
0x53: {  	_ =	shalt  }
0x54: {  	_ =	shalt  }
0x55: {  	_ =	shalt  }
0x56: {  	_ =	shalt  }
0x57: {  	_ =	shalt  }
0x58: {  	_ =	shalt  }
0x59: {  	_ =	shalt  }
0x5a: {  	_ =	shalt  }
0x5b: {  	_ =	shalt  }
0x5c: {  	_ =	shalt  }
0x5d: {  	_ =	shalt  }
0x5e: {  	_ =	shalt  }
0x5f: {  	_ =	shalt  }
0x60: {  	_ =	shalt  }
0x61: {  	_ =	shalt  }
0x62: {  	_ =	shalt  }
0x63: {  	_ =	shalt  }
0x64: {  	_ =	shalt  }
0x65: {  	_ =	shalt  }
0x66: {  	_ =	shalt  }
0x67: {  	_ =	shalt  }
0x68: {  	_ =	shalt  }
0x69: {  	_ =	shalt  }
0x6a: {  	_ =	shalt  }
0x6b: {  	_ =	shalt  }
0x6c: {  	_ =	shalt  }
0x6d: {  	_ =	shalt  }
0x6e: {  	_ =	shalt  }
0x6f: {  	_ =	shalt  }
0x70: {  	_ =	shalt  }
0x71: {  	_ =	shalt  }
0x72: {  	_ =	shalt  }
0x73: {  	_ =	shalt  }
0x74: {  	_ =	shalt  }
0x75: {  	_ =	shalt  }
0x76: {  	_ =	shalt  }
0x77: {  	_ =	shalt  }
0x78: {  	_ =	shalt  }
0x79: {  	_ =	shalt  }
0x7a: {  	_ =	shalt  }
0x7b: {  	_ =	shalt  }
0x7c: {  	_ =	shalt  }
0x7d: {  	_ =	shalt  }
0x7e: {  	_ =	shalt  }
0x7f: {  	_ =	shalt  }
0x80: {  	_ =	shalt  }
0x81: {  	_ =	shalt  }
0x82: {  	_ =	shalt  }
0x83: {  	_ =	shalt  }
0x84: {  	_ =	shalt  }
0x85: {  	_ =	shalt  }
0x86: {  	_ =	shalt  }
0x87: {  	_ =	shalt  }
.Lfunc_end0:
.L_simem_size_0:
called_computation.3_lowered:
.L_overlay_start_0:
0x88: {  	s2 =	sld [smem:$0x3FD9]  }
0x89: {  	s3 =	sld [smem:$0x3FFE];
	_ =	sdelay $0x1  }
0x8a: {  	s1 =	srdreg.scid  }
0x8b: {  	s0 =	sand.u32 $0x1, s1  }
0x8c: {  	s15 =	sshll.u32 s0, $0xA;
	s2 =	sadd.s32 s3, s2  }
0x8d: {  	s2 =	sadd.s32 s2, s15  }
0x8e: {  	[smem:$0x3FC6] =	sst s2  }
0x8f: {  	_ = 	snop  }
0x90: {  	s2 =	sld [smem:$0x3FD0];
	_ =	sdelay $0x2  }
0x91: {  	s16 =	simm.s32 $0xD;
	s4 =	simm.s32 $0x10  }
0x92: {  	[smem:s4], [sflag:s16] =	dma.local [hbm:s2], $0x1  }
0x93: {  	_ =	swait.eq [sflag:s16], $0x1  }
0x94: {  	[sflag:s16] =	ssyncset.done $0x0  }
0x95: {  	[sflag:s16] =	ssyncadd.s32 $0xFFFFFFFF  }
0x96: {  	s17 =	sld [smem:$0x10];
	(tm) =	ssettm $0x1  }
0x97: {  	s18 =	sld [smem:$0x3FFB];
	_ =	sdelay $0x3  }
0x98: {  	_ =	strace s18  }
0x99: {  	s2 =	sld [smem:$0x3FFC];
	_ =	sdelay $0x3  }
0x9a: {  	_ =	strace s2  }
0x9b: {  	s2 =	sld [smem:$0x3FFD];
	_ =	sdelay $0x3  }
0x9c: {  	_ =	strace s2  }
0x9d: {  	_ =	strace $0x8FFFFFFF  }
0x9e: {  	s19 =	sld [smem:$0x3FDB];
	_ =	sdelay $0x1  }
0x9f: {  	s20 =	simm.s32 $_scs_section_size  }
0xa0: {  	s5 =	simm.s32 $_size__tile_overlayer_lowered;
	s6 =	simm.s32 $_tile_overlayer_lowered  }
0xa1: {  	s7 =	simm.s32 $0x1BFF;
	s21 =	sshll.u32 s6, $0x1;
	s4 =	sadd.s32 s20, s19  }
0xa2: {  	s22 =	simm.s32 $0x0;
	s5 =	sshll.u32 s5, $0x1;
	s6 =	sadd.s32 s21, s4  }
0xa3: {  	[timem:s22], [sflag:s7] =	dma.local [hbm:s6], s5  }
0xa4: {  	_ =	swait.ge [sflag:s7], s5  }
0xa5: {  	s5 =	ssub.s32 $0x0, s5;
	[sflag:s7] =	ssyncset.done $0x0  }
0xa6: {  	[sflag:s7] =	ssyncadd.s32 s5;
	_ =	sdelay $0x1  }
0xa7: {  	s23 =	simm.s32 $0x1B8B  }
0xa8: {  	_ =	swait.ge [sflag:s23], $0x1  }
0xa9: {  	[sflag:s23] =	ssyncset.done $0x0  }
0xaa: {  	[sflag:s23] =	ssyncadd.s32 $0xFFFFFFFF  }
0xab: {  	s5 =	sld [smem:$0x0]  }
0xac: {  	s6 =	sand.u32 $0xFFFFFFFE, s1  }
0xad: {  	p0 =	sne.s32 s1, s6  }
0xae: {  	s6 =	sshll.u32 @p0 s6, $0xE  }
0xaf: {  	s6 =	sadd.s32 @p0 $0x11B8D, s6;
	s7 =	sshll.u32 @p0 s5, $0x11  }
0xb0: {  	s6 =	sor.u32 @p0 s7, s6  }
0xb1: {  	[sflag:s6] =	ssyncadd.remote.s32 @p0 $0x1;
	_ =	sdelay $0x1  }
0xb2: {  	s6 =	simm.s32 @p0 $0x1B8D  }
0xb3: {  	_ =	swait.eq @p0 [sflag:s6], $0x1  }
0xb4: {  	[sflag:s6] =	ssyncadd.s32 @p0 $0xFFFFFFFF  }
0xb5: {  	s7 =	sshll.u32 @!p0 s1, $0xE  }
0xb6: {  	s7 =	sor.u32 @!p0 $0x4000, s7;
	s6 =	simm.s32 @!p0 $0x1B8D  }
0xb7: {  	s5 =	sshll.u32 @!p0 s5, $0x11;
	s7 =	sadd.s32 @!p0 $0x11B8D, s7;
	_ =	swait.eq @!p0 [sflag:s6], $0x1  }
0xb8: {  	s5 =	sor.u32 @!p0 s5, s7;
	[sflag:s6] =	ssyncadd.s32 @!p0 $0xFFFFFFFF  }
0xb9: {  	s25 =	simm.s32 $0x1B8E;
	s24 =	sld [smem:$0x3FFE];
	[sflag:s5] =	ssyncadd.remote.s32 @!p0 $0x1  }
0xba: {  	s26 =	simm.s32 $execute0_lowered;
	[smem:$0x3FD2] =	sst s25  }
0xbb: {  	s6 =	sshll.u32 s26, $0x1;
	_ =	strace $0x8000004F;
	[dreg:$0x1] =	wrdreg $0xFFFFFFFF  }
0xbc: {  	s28 =	simm.s32 $_size_execute0_lowered;
	s4 =	sadd.s32 s4, s6;
	[dreg:$0x0] =	wrdreg $0x0  }
0xbd: {  	s6 =	sshll.u32 s28, $0x1;
	[dreg:$0x2] =	wrdreg s4  }
0xbe: {  	[dreg:$0x3] =	wrdreg s6  }
0xbf: {  	[dreg:$0x4] =	wrdreg $0xC0  }
0xc0: {  	_ =	task [dreg:s22], $0x5FFFF  }
0xc1: {  	[dreg:$0x1] =	wrdreg $0xFFFFFFFF  }
0xc2: {  	[dreg:$0x0] =	wrdreg $0x60  }
0xc3: {  	[dreg:$0x2] =	wrdreg s17  }
0xc4: {  	[dreg:$0x3] =	wrdreg s24  }
0xc5: {  	[dreg:$0x4] =	wrdreg $0xC  }
0xc6: {  	_ =	task.clear_ibuf [dreg:s22], $0x5FFFF;
	_ =	strace $0x9000004F  }
0xc7: {  	s29 =	simm.s32 $0xC;
	_ =	strace $0x80000051  }
0xc8: {  	_ =	swait.ge [sflag:s29], $0x1  }
0xc9: {  	[sflag:s29] =	ssyncadd.s32 $0xFFFFFFFF  }
0xca: {  	_ =	strace $0x90000051  }
0xcb: {  	_ =	sfence  }
0xcc: {  	s30 =	sld [smem:$0x0];
	_ =	sdelay $0x2  }
0xcd: {  	s31 =	sshll.u32 s1, $0xD;
	s1 =	sshrl.u32 s1, $0x2  }
0xce: {  	s4 =	sand.u32 $0x4000, s31;
	s1 =	sadd.s32 s1, s30  }
0xcf: {  	s0 =	sor.u32 s4, s0;
	s1 =	sshll.u32 s1, $0x11  }
0xd0: {  	s0 =	sor.u32 s1, s0  }
0xd1: {  	s0 =	sadd.s32 $0x8F2B, s0  }
0xd2: {  	[sflag:s0] =	ssyncadd.remote.s32 $0x1  }
0xd3: {  	_ =	sfence.sel $0xFFFF  }
0xd4: {  	[dreg:$0x0] =	wrdreg $0xFFFFFFFF;
	(pc) =	sbr.abs _section_cstart, $3  }
0xd5: {  	[dreg:$0x1] =	wrdreg $0xFFFFFFFF  }
0xd6: {  	_ =	task.clear_ibuf [dreg:s22], $0x2FFFF;
	_ =	strace $0x9FFFFFFF  }
0xd7: {  	(tm) =	ssettm $0x7FFFFFFF  }
tec
execute0_lowered:
.L_overlay_start_1:
0x0: {  	(tag) =	ssettag $0x1  }
0x1: {  	s3 =	rddreg [dreg:$0x0]  }
0x2: {  	s4 =	rddreg [dreg:$0x1]  }
0x3: {  	s0 =	rddreg [dreg:$0x2];
	s2 =	simm.s32 $0x0;
	s5 =	srdreg.scid  }
0x4: {  	s1 =	stileid.u32;
	s9 =	simm.s32 $0x2000;
	s10 =	simm.s32 $0x4000  }
0x5: {  	s11 =	simm.s32 $0x6000;
	s12 =	simm.s32 $0x0;
	s5 =	sand.u32 $0x1, s5  }
0x6: {  	v0 =	vlaneseq.u32;
	s6 =	sshll.u32 s1, $0xB;
	s7 =	sshll.u32 s5, $0xA;
	s5 =	ssub.s32 $0x2, s5  }
0x7: {  	[smem:$0x7FF] =	sst s2;
	v4 =	vmul.u32 $0xFFFFFFFF, v0;
	s6 =	sor.u32 s7, s6;
	s31 =	sshrl.u32 s5, $0x1  }
0x8: {  	_ =	strace $0x80000050;
	s8 =	sadd.s32 s6, s4;
	s7 =	ssub.s32 s5, s31  }
0x9: {  	vm0 =	vmmov $0xff;
	v1 =	vadd.s32 $0x3F, v4;
	s3 =	sadd.s32 s3, s6;
	s4 =	sadd.s32 $0x63200, s8;
	s5 =	sadd.s32 $0x6B200, s8  }
0xa: {  	v2 =	vadd.s32 $0x2F, v4;
	v3 =	vadd.s32 $0x1F, v4;
	v4 =	vadd.s32 $0xF, v4;
	s6 =	sadd.s32 $0x73200, s8;
	s7 =	smax.u32 s7, $0x1;
	s8 =	simm.s32 $0x1  }
.LBB2_1:
0xb: {  	[tilespmem:s2], [sflag:$0x1] =	stream.linear.gather [hbm4b:s3+s2], $0x2000, $0x38;
	[tilespmem:$0x8000] =	vst v63  }
0xc: {  	_ =	swait.ge [sflag:s8], $0x2000  }
0xd: {  	[sflag:s8] =	ssyncset.done $0x0  }
0xe: {  	s13 =	simm.s32 $0x20;
	[sflag:s8] =	ssyncadd.s32 $0xFFFFE000  }
0xf: {  	v5 =	vld [tilespmem:s13+$0x10]  }
0x10: {  	v6 =	vld [tilespmem:s13+$0xFFFFFFE0]  }
0x11: {  	v7 =	vld [tilespmem:s13+$0x0]  }
0x12: {  	v8 =	vld [tilespmem:s13+$0xFFFFFFF0];
	_ =	sdelay $0x4  }
0x13: {  	v9 =	vmax.f32 v7, v5;
	v10 =	vmax.f32 v6, v8  }
0x14: {  	v9 =	vmax.f32 v10, v9  }
0x15: {  	(xrf0) =	vmax.scan.msk.f32 $0xffff, v9;
	_ =	sdelay $0x5  }
0x16: {  	v9, _, _ =	vpop (xrf0)  }
0x17: {  	v9 =	vbroadcast v9, $0xF;
	_ =	sdelay $0x1  }
0x18: {  	v6 =	vsub.f32 v6, v9  }
0x19: {  	v8 =	vsub.f32 v8, v9  }
0x1a: {  	v6 =	vmul.f32 $1.442695020e+00, v6  }
0x1b: {  	v7 =	vsub.f32 v7, v9;
	v8 =	vmul.f32 $1.442695020e+00, v8  }
0x1c: {  	(erf) = vpow2.f32 v6  }
0x1d: {  	v5 =	vsub.f32 v5, v9;
	v6 =	vmul.f32 $1.442695020e+00, v7;
	(erf) = vpow2.f32 v8;
	_ =	sdelay $0x1  }
0x1e: {  	v5 =	vmul.f32 $1.442695020e+00, v5;
	(erf) = vpow2.f32 v6;
	_ =	sdelay $0x1  }
0x1f: {  	(erf) = vpow2.f32 v5;
	_ =	sdelay $0x3  }
0x20: {  	v5 =	vpop (erf)  }
0x21: {  	v6 =	vpop (erf)  }
0x22: {  	v7 =	vadd.f32 v6, v5  }
0x23: {  	v8 =	vpop (erf)  }
0x24: {  	v7 =	vadd.f32 v7, v8  }
0x25: {  	v58 =	vpop (erf)  }
0x26: {  	v7 =	vadd.f32 v7, v58;
	_ =	sdelay $0x1  }
0x27: {  	(xrf2) =	vadd.scan.msk.f32 $0xffff, v7;
	_ =	sdelay $0x9  }
0x28: {  	v7, _, _ =	vpop (xrf2)  }
0x29: {  	v7 =	vbroadcast v7, $0xF;
	_ =	sdelay $0x1  }
0x2a: {  	(erf) = vrcp.f32 v7;
	_ =	sdelay $0x8  }
0x2b: {  	v7 =	vpop (erf)  }
0x2c: {  	v9 =	vmul.f32 v7, v58  }
0x2d: {  	v6 =	vmul.f32 v7, v6  }
0x2e: {  	v8 =	vmul.f32 v7, v8;
	v59 =	vshll.u32 v9, $0x2  }
0x2f: {  	v7 =	vmul.f32 v7, v5;
	v5 =	vshll.u32 v6, $0x2;
	v10 =	vadd.s32 $0x8, v59  }
0x30: {  	v11 =	vshll.u32 v8, $0x2;
	v5 =	vadd.s32 $0x8, v5;
	v10 =	vand.u32 $0xFFFFFFC0, v10  }
0x31: {  	v11 =	vadd.s32 $0x8, v11;
	v5 =	vand.u32 $0xFFFFFFC0, v5;
	v10 =	vor.u32 v4, v10  }
0x32: {  	v11 =	vand.u32 $0xFFFFFFC0, v11;
	v5 =	vor.u32 v2, v5;
	(xrf1) =	vsort.dscd.msk.u32 $0xffff, v10, v10  }
0x33: {  	v11 =	vor.u32 v3, v11;
	(xrf1) =	vsort.dscd.msk.u32 $0xffff, v5, v5  }
0x34: {  	v60 =	vshll.u32 v7, $0x2;
	(xrf1) =	vsort.dscd.msk.u32 $0xffff, v11, v11  }
0x35: {  	v10 =	vadd.s32 $0x8, v60  }
0x36: {  	v5 =	vand.u32 $0xFFFFFFC0, v10  }
0x37: {  	v5 =	vor.u32 v1, v5  }
0x38: {  	(xrf1) =	vsort.dscd.msk.u32 $0xffff, v5, v5;
	_ =	sdelay $0x7  }
0x39: {  	v5, _, _ =	vpop (xrf1)  }
0x3a: {  	v5 =	vperm.xlane v5, v4;
	v61, _, _ =	vpop (xrf1)  }
0x3b: {  	v11, _, _ =	vpop (xrf1)  }
0x3c: {  	v5 =	vmax.u32 v11, v5;
	_ =	sdelay $0x1  }
0x3d: {  	v10 =	vperm.xlane v61, v4  }
0x3e: {  	(xrf1) =	vsort.dscd.msk.u32 $0xffff, v5, v5;
	v5, _, _ =	vpop (xrf1)  }
0x3f: {  	v5 =	vmax.u32 v5, v10  }
0x40: {  	(xrf1) =	vsort.dscd.msk.u32 $0xffff, v5, v5;
	_ =	sdelay $0xb  }
0x41: {  	v5, _, _ =	vpop (xrf1)  }
0x42: {  	v5 =	vperm.xlane v5, v4  }
0x43: {  	v62, _, _ =	vpop (xrf1)  }
0x44: {  	v5 =	vmax.u32 v62, v5  }
0x45: {  	(xrf1) =	vsort.dscd.msk.u32 $0xffff, v5, v5;
	_ =	sdelay $0xd  }
0x46: {  	v5, _, _ =	vpop (xrf1)  }
0x47: {  	s16 =	simm.s32 $0x0;
	v5 =	vandn.u32 $0x3F, v5  }
0x48: {  	s14 =	simm.s32 $0x2020;
	v63 =	vor.u32 s16, v5  }
0x49: {  	[tilespmem:s14+$0xFFFFFFF0] =	vst v6  }
0x4a: {  	[tilespmem:s14+$0xFFFFFFE0] =	vst v7  }
0x4b: {  	[tilespmem:s14+$0x0] =	vst v8  }
0x4c: {  	[tilespmem:s14+$0x10] =	vst v9  }
0x4d: {  	v6 =	vld.idx.msk [tilespmem:v63+s9+$0x0], $0xffff;
	_ =	sdelay $0x4  }
0x4e: {  	v7 =	vnsel vm0, $0x0, v6  }
0x4f: {  	(xrf2) =	vadd.scan.msk.f32 $0xffff, v7;
	_ =	sdelay $0x9  }
0x50: {  	v6, _, _ =	vpop (xrf2)  }
0x51: {  	v6 =	vbroadcast v6, $0xF;
	_ =	sdelay $0x1  }
0x52: {  	(erf) = vrcp.f32 v6;
	_ =	sdelay $0x6  }
0x53: {  	v6 =	vor.u32 s16, v0;
	_ =	sdelay $0x1  }
0x54: {  	v8 =	vpop (erf)  }
0x55: {  	s15 =	simm.s32 $0x1;
	v7 =	vmul.f32 v8, v7  }
.LBB2_2:
0x56: {  	_ = 	snop  }
0x57: {  	p0 =	sne.s32 s15, $0x3F;
	s13 =	sadd.s32 $0x80, s13;
	s14 =	sadd.s32 $0x80, s14;
	[tilespmem:v6+s10+$0x0] =	vst.idx.msk $0xff, v7  }
0x58: {  	s16 =	smov.u32 s15;
	s15 =	sadd.s32 $0x1, s15;
	[tilespmem:v6+s11+$0x0] =	vst.idx.msk $0xff, v5  }
0x59: {  	v5 =	vld [tilespmem:s13+$0x10]  }
0x5a: {  	v6 =	vld [tilespmem:s13+$0xFFFFFFE0]  }
0x5b: {  	v7 =	vld [tilespmem:s13+$0x0]  }
0x5c: {  	v8 =	vld [tilespmem:s13+$0xFFFFFFF0];
	_ =	sdelay $0x3  }
0x5d: {  	v9 =	vmax.f32 v7, v5  }
0x5e: {  	v10 =	vmax.f32 v6, v8  }
0x5f: {  	v9 =	vmax.f32 v10, v9  }
0x60: {  	(xrf0) =	vmax.scan.msk.f32 $0xffff, v9;
	_ =	sdelay $0x5  }
0x61: {  	v9, _, _ =	vpop (xrf0)  }
0x62: {  	v9 =	vbroadcast v9, $0xF;
	_ =	sdelay $0x1  }
0x63: {  	v6 =	vsub.f32 v6, v9;
	v7 =	vsub.f32 v7, v9  }
0x64: {  	v8 =	vsub.f32 v8, v9;
	v5 =	vsub.f32 v5, v9  }
0x65: {  	v6 =	vmul.f32 $1.442695020e+00, v6;
	v7 =	vmul.f32 $1.442695020e+00, v7  }
0x66: {  	v8 =	vmul.f32 $1.442695020e+00, v8;
	v5 =	vmul.f32 $1.442695020e+00, v5  }
0x67: {  	(erf) = vpow2.f32 v6  }
0x68: {  	(erf) = vpow2.f32 v8  }
0x69: {  	(erf) = vpow2.f32 v7;
	_ =	sdelay $0x1  }
0x6a: {  	(erf) = vpow2.f32 v5;
	_ =	sdelay $0x4  }
0x6b: {  	v5 =	vpop (erf)  }
0x6c: {  	v6 =	vpop (erf)  }
0x6d: {  	v7 =	vadd.f32 v6, v5;
	v8 =	vpop (erf);
	_ =	sdelay $0x1  }
0x6e: {  	v7 =	vadd.f32 v7, v8;
	v9 =	vpop (erf);
	_ =	sdelay $0x1  }
0x6f: {  	v7 =	vadd.f32 v7, v9;
	_ =	sdelay $0x1  }
0x70: {  	(xrf2) =	vadd.scan.msk.f32 $0xffff, v7;
	_ =	sdelay $0x9  }
0x71: {  	v7, _, _ =	vpop (xrf2)  }
0x72: {  	v7 =	vbroadcast v7, $0xF;
	_ =	sdelay $0x1  }
0x73: {  	(erf) = vrcp.f32 v7;
	_ =	sdelay $0x8  }
0x74: {  	v7 =	vpop (erf)  }
0x75: {  	v6 =	vmul.f32 v7, v6;
	v9 =	vmul.f32 v7, v9  }
0x76: {  	v5 =	vmul.f32 v7, v5;
	v7 =	vmul.f32 v7, v8  }
0x77: {  	[tilespmem:s14+$0xFFFFFFF0] =	vst v6;
	v6 =	vshll.u32 v6, $0x2;
	v8 =	vshll.u32 v9, $0x2  }
0x78: {  	v10 =	vshll.u32 v7, $0x2;
	[tilespmem:s14+$0xFFFFFFE0] =	vst v5;
	v6 =	vadd.s32 $0x8, v6;
	v8 =	vadd.s32 $0x8, v8  }
0x79: {  	v6 =	vand.u32 $0xFFFFFFC0, v6;
	[tilespmem:s14+$0x0] =	vst v7;
	v7 =	vadd.s32 $0x8, v10;
	v8 =	vand.u32 $0xFFFFFFC0, v8  }
0x7a: {  	v5 =	vshll.u32 v5, $0x2;
	v7 =	vand.u32 $0xFFFFFFC0, v7;
	[tilespmem:s14+$0x10] =	vst v9;
	v8 =	vor.u32 v4, v8  }
0x7b: {  	v5 =	vadd.s32 $0x8, v5;
	v6 =	vor.u32 v2, v6;
	v7 =	vor.u32 v3, v7;
	(xrf1) =	vsort.dscd.msk.u32 $0xffff, v8, v8  }
0x7c: {  	v5 =	vand.u32 $0xFFFFFFC0, v5;
	(xrf1) =	vsort.dscd.msk.u32 $0xffff, v6, v6  }
0x7d: {  	v5 =	vor.u32 v1, v5;
	(xrf1) =	vsort.dscd.msk.u32 $0xffff, v7, v7  }
0x7e: {  	(xrf1) =	vsort.dscd.msk.u32 $0xffff, v5, v5;
	_ =	sdelay $0xa  }
0x7f: {  	v5, _, _ =	vpop (xrf1)  }
0x80: {  	v5 =	vperm.xlane v5, v4;
	v6, _, _ =	vpop (xrf1)  }
0x81: {  	v6 =	vperm.xlane v6, v4;
	v7, _, _ =	vpop (xrf1)  }
0x82: {  	v5 =	vmax.u32 v7, v5;
	v7, _, _ =	vpop (xrf1)  }
0x83: {  	v6 =	vmax.u32 v7, v6;
	(xrf1) =	vsort.dscd.msk.u32 $0xffff, v5, v5;
	_ =	sdelay $0x1  }
0x84: {  	(xrf1) =	vsort.dscd.msk.u32 $0xffff, v6, v6;
	_ =	sdelay $0xb  }
0x85: {  	v5, _, _ =	vpop (xrf1)  }
0x86: {  	v5 =	vperm.xlane v5, v4  }
0x87: {  	v6, _, _ =	vpop (xrf1)  }
0x88: {  	v5 =	vmax.u32 v6, v5  }
0x89: {  	(xrf1) =	vsort.dscd.msk.u32 $0xffff, v5, v5;
	_ =	sdelay $0xd  }
0x8a: {  	v5, _, _ =	vpop (xrf1)  }
0x8b: {  	s16 =	sshll.u32 s16, $0x7;
	v5 =	vandn.u32 $0x3F, v5  }
0x8c: {  	v6 =	vor.u32 s16, v5;
	_ =	sdelay $0x4  }
0x8d: {  	v6 =	vld.idx.msk [tilespmem:v6+s9+$0x0], $0xffff;
	_ =	sdelay $0x5  }
0x8e: {  	v7 =	vnsel vm0, $0x0, v6  }
0x8f: {  	(xrf2) =	vadd.scan.msk.f32 $0xffff, v7;
	_ =	sdelay $0x9  }
0x90: {  	v6, _, _ =	vpop (xrf2)  }
0x91: {  	v6 =	vbroadcast v6, $0xF;
	_ =	sdelay $0x1  }
0x92: {  	(erf) = vrcp.f32 v6;
	_ =	sdelay $0x5  }
.Ltmp0:
0x93: {  	(pc) =	sbr.rel @p0 .LBB2_2-.Ltmp0, $3  }
0x94: {  	v6 =	vor.u32 s16, v0;
	_ =	sdelay $0x1  }
0x95: {  	v8 =	vpop (erf)  }
0x96: {  	v7 =	vmul.f32 v8, v7  }
0x97: {  	_ =	sdelay $0x3  }
0x98: {  	[tilespmem:v6+s10+$0x0] =	vst.idx.msk $0xff, v7  }
0x99: {  	[tilespmem:v6+s11+$0x0] =	vst.idx.msk $0xff, v5  }
0x9a: {  	[hbm4b:s4+s2] =	stream.linear.scatter [tilespmem:s9], [sflag:$0x1], $0x2000, $0x38;
	[tilespmem:$0x8000] =	vst v63  }
0x9b: {  	_ =	swait.ge [sflag:s8], $0x2000  }
0x9c: {  	[sflag:s8] =	ssyncset.done $0x0  }
0x9d: {  	[sflag:s8] =	ssyncadd.s32 $0xFFFFE000  }
0x9e: {  	[hbm4b:s5+s2] =	stream.linear.scatter [tilespmem:s10], [sflag:$0x1], $0x2000, $0x38;
	[tilespmem:$0x8000] =	vst v63  }
0x9f: {  	s12 =	sadd.s32 $0x1, s12;
	_ =	swait.ge [sflag:s8], $0x2000  }
0xa0: {  	p0 =	sne.s32 s12, s7;
	[sflag:s8] =	ssyncset.done $0x0  }
.Ltmp1:
0xa1: {  	[sflag:s8] =	ssyncadd.s32 $0xFFFFE000;
	(pc) =	sbr.rel @p0 .LBB2_1-.Ltmp1, $4  }
0xa2: {  	[hbm4b:s6+s2] =	stream.linear.scatter [tilespmem:s11], [sflag:$0x1], $0x2000, $0x38;
	[tilespmem:$0x8000] =	vst v63  }
0xa3: {  	_ =	swait.ge [sflag:s8], $0x2000  }
0xa4: {  	[sflag:s8] =	ssyncset.done $0x0  }
0xa5: {  	[sflag:s8] =	ssyncadd.s32 $0xFFFFE000  }
0xa6: {  	_ =	sfence.sel $0x180000  }
0xa7: {  	[bflag:$0x0] =	sbarrier.arrive $0xFFFF  }
0xa8: {  	p0 =	sne.s32 s1, $0x0;
	_ =	strace $0x90000050  }
0xa9: {  	s0 =	sadd.s32 @!p0 $0x100000, s0;
	[bflag:$0x2] =	sbarrier.arrive $0xFFFF  }
0xaa: {  	[sflag:s0] =	ssyncadd.tile.s32 @!p0 $0x1;
	_ =	shalt  }
.Lfunc_end2:
_tile_overlayer_lowered:
.L_overlay_start_2:
0xab: {  	(tag) =	ssettag $0x2  }
0xac: {  	s0 =	rddreg [dreg:$0x0];
	s2 =	stileid.u32  }
0xad: {  	s1 =	rddreg [dreg:$0x1];
	p0 =	sne.s32 s2, $0x0  }
0xae: {  	s3 =	rddreg [dreg:$0x2];
	[bflag:$0x3] =	sbarrier.arrive $0xFFFF;
	s2 =	simm.s32 @!p0 $0x1C01  }
0xaf: {  	[timem:s3], [sflag:s2] =	dma.local @!p0 [hbm:s0], s1  }
0xb0: {  	s0 =	simm.s32 @!p0 $0x1  }
0xb1: {  	_ =	swait.ge @!p0 [sflag:s0], s1  }
0xb2: {  	s1 =	ssub.s32 @!p0 $0x0, s1;
	[sflag:s0] =	ssyncset.done @!p0 $0x0  }
0xb3: {  	[sflag:s0] =	ssyncadd.s32 @!p0 s1  }
0xb4: {  	[bflag:$0x3] =	sbarrier.arrive $0xFFFF  }
0xb5: {  	_ =	shalt  }

</sc_bundles>
